<compile_context>
chip_gen: v7x
topology: tpu7x:2x2x1
jax: 0.10.2.dev20260603
libtpu: 0.0.44.dev20260713+nightly
codegen_flags: <defaults>
</compile_context>

<pallas_src>
import functools

import jax
from jax import lax
from jax.experimental import pallas as pl
from jax.experimental.pallas import tpu as pltpu
from jax.experimental.pallas import tpu_sc as plsc


def _sc_window_copy(table, Q, K, offset):
    D = table.shape[1]
    info = plsc.get_sparse_core_info()
    NC = info.num_cores
    NW = info.num_cores * info.num_subcores
    mesh = plsc.VectorSubcoreMesh(core_axis_name="c", subcore_axis_name="s")

    row_groups = 1
    rpt = Q // row_groups
    col_groups = NW // row_groups
    cpt = K // col_groups
    span = cpt + rpt - 1
    span_al = ((span + 7) // 8) * 8

    table_flat = table.reshape(-1)

    @functools.partial(
        pl.kernel,
        out_type=jax.ShapeDtypeStruct((Q * K * D,), table.dtype),
        mesh=mesh,
        scratch_types=[
            pltpu.VMEM((span_al * D,), table.dtype),
            pltpu.SemaphoreType.DMA,
            pltpu.SemaphoreType.DMA,
        ],
    )
    def copy_kernel(table_hbm, out_hbm, buf, in_sem, out_sem):
        wid = lax.axis_index("s") * NC + lax.axis_index("c")
        g = wid % col_groups
        r = wid // col_groups
        block = g * cpt
        row0 = r * rpt
        lo = block + offset - (row0 + rpt - 1)
        lo_al = (lo // 8) * 8

        pltpu.async_copy(
            table_hbm.at[pl.ds(lo_al * D, span_al * D)], buf, in_sem
        ).wait()

        for ii in range(rpt):
            i = row0 + ii
            src_off = (block + offset - i - lo_al) * D
            dst_off = (i * K + block) * D
            pltpu.async_copy(
                buf.at[pl.ds(src_off, cpt * D)],
                out_hbm.at[pl.ds(dst_off, cpt * D)],
                out_sem,
            )
        pltpu.make_async_copy(
            table_hbm.at[pl.ds(0, rpt * cpt * D)],
            out_hbm.at[pl.ds(wid * rpt * cpt * D, rpt * cpt * D)],
            out_sem,
        ).wait()

    return copy_kernel(table_flat).reshape(Q, K, D)


def kernel(q, k, embed_weight):
    Q = q.shape[0]
    K = k.shape[0]
    max_len = embed_weight.shape[0]
    offset = max_len // 2 + max_len % 2
    return _sc_window_copy(embed_weight, Q, K, offset)

# --- scband reference (transcript-rebuilt; emitter-appended) ---
"""Pipeline reference for scband-relative-positional-embedding-32031866094084 (READ-ONLY COPY).

The authoritative reference and input builder live on the scoring server;
editing this copy changes nothing except your own understanding.
"""

import jax, jax.numpy as jnp
import numpy as np

MAX_LEN = 8192
N_MODEL = 128

def _build_table():
    pos = np.concatenate([np.arange(-(MAX_LEN // 2), 0, dtype=np.float32),
                          np.arange(0, MAX_LEN // 2, dtype=np.float32)])
    inv = 10000.0 ** ((np.arange(N_MODEL) // 2).astype(np.float32) * 2.0 / N_MODEL)
    w = pos[:, None] / inv[None, :]
    w[:, 0::2] = np.sin(w[:, 0::2])
    w[:, 1::2] = np.cos(w[:, 1::2])
    return jnp.asarray(w, dtype=jnp.float32)

def setup_inputs(seed: int = 0) -> dict:
    key = jax.random.key(seed)
    kq, kk = jax.random.split(key)
    q = jax.random.normal(kq, (32, 128), dtype=jnp.float32)
    k = jax.random.normal(kk, (4096, 128), dtype=jnp.float32)
    embed_weight = _build_table()
    return {"q": q, "k": k, "embed_weight": embed_weight}

def reference(q, k, embed_weight):
    max_len = embed_weight.shape[0]
    offset = max_len // 2 + max_len % 2
    idx = (jnp.arange(k.shape[0], dtype=jnp.int64 if jax.config.jax_enable_x64 else jnp.int32)
           - jnp.arange(q.shape[0], dtype=jnp.int64 if jax.config.jax_enable_x64 else jnp.int32)[:, None]) + offset
    return jnp.take(embed_weight, idx, axis=0)

if __name__ == "__main__":
    import jax
    _d = setup_inputs()
    print(jax.jit(kernel)(*tuple(_d.values())))

</pallas_src>

<mosaic_0001>
#map = affine_map<(d0, d1) -> (0)>
module attributes {stable_mosaic.version = 14 : i64} {
  func.func @copy_kernel(%arg0: i32, %arg1: i32, %arg2: memref<1048576xf32, #tpu.memory_space<hbm>>, %arg3: memref<16777216xf32, #tpu.memory_space<hbm>>, %arg4: memref<20480xf32, #tpu.memory_space<vmem>>, %arg5: memref<!tpu.dma_semaphore, #tpu.memory_space<semaphore_mem>>, %arg6: memref<!tpu.dma_semaphore, #tpu.memory_space<semaphore_mem>>) attributes {dimension_semantics = [#tpu.dimension_semantics<core_parallel>, #tpu.dimension_semantics<subcore_parallel>], iteration_bounds = array<i64: 2, 16>, scalar_prefetch = 0 : i64, scratch_operands = 3 : i64, tpu.core_type = #tpu.core_type<sc_vector_subcore>, window_params = [{transform_indices = #map}, {transform_indices = #map}]} {
    %mul3A = arith.constant 2 : i32
    %mul3A_0 = arith.muli %arg1, %mul3A : i32
    %add3A = arith.addi %mul3A_0, %arg0 : i32
    %jit3A = arith.constant 32 : i32
    %eq3A = arith.constant 0 : i32
    %eq3A_1 = arith.cmpi eq, %jit3A, %eq3A : i32
    %jit3A_2 = arith.constant 1 : i32
    %select_n3A = arith.select %eq3A_1, %jit3A_2, %jit3A : i32
    %rem3A = arith.remsi %add3A, %select_n3A : i32
    %ne3A = arith.constant 0 : i32
    %ne3A_3 = arith.cmpi ne, %rem3A, %ne3A : i32
    %lt3A = arith.constant 0 : i32
    %lt3A_4 = arith.cmpi slt, %rem3A, %lt3A : i32
    %lt3A_5 = arith.constant 0 : i32
    %lt3A_6 = arith.cmpi slt, %select_n3A, %lt3A_5 : i32
    %ne3A_7 = arith.xori %lt3A_4, %lt3A_6 : i1
    %and3A = arith.andi %ne3A_7, %ne3A_3 : i1
    %add3A_8 = arith.addi %rem3A, %select_n3A : i32
    %select_n3A_9 = arith.select %and3A, %add3A_8, %rem3A : i32
    %jit3A_10 = arith.constant 32 : i32
    %div3A = arith.divsi %add3A, %jit3A_10 : i32
    %sign3A = arith.constant 0 : i32
    %sign3A_11 = arith.cmpi sgt, %add3A, %sign3A : i32
    %sign3A_12 = arith.extui %sign3A_11 : i1 to i32
    %sign3A_13 = arith.constant 0 : i32
    %sign3A_14 = arith.cmpi slt, %add3A, %sign3A_13 : i32
    %sign3A_15 = arith.extui %sign3A_14 : i1 to i32
    %sign3A_16 = arith.subi %sign3A_12, %sign3A_15 : i32
    %sign3A_17 = arith.constant 0 : i32
    %sign3A_18 = arith.cmpi sgt, %jit3A_10, %sign3A_17 : i32
    %sign3A_19 = arith.extui %sign3A_18 : i1 to i32
    %sign3A_20 = arith.constant 0 : i32
    %sign3A_21 = arith.cmpi slt, %jit3A_10, %sign3A_20 : i32
    %sign3A_22 = arith.extui %sign3A_21 : i1 to i32
    %sign3A_23 = arith.subi %sign3A_19, %sign3A_22 : i32
    %ne3A_24 = arith.cmpi ne, %sign3A_16, %sign3A_23 : i32
    %rem3A_25 = arith.remsi %add3A, %jit3A_10 : i32
    %ne3A_26 = arith.constant 0 : i32
    %ne3A_27 = arith.cmpi ne, %rem3A_25, %ne3A_26 : i32
    %and3A_28 = arith.andi %ne3A_24, %ne3A_27 : i1
    %sub3A = arith.constant 1 : i32
    %sub3A_29 = arith.subi %div3A, %sub3A : i32
    %select_n3A_30 = arith.select %and3A_28, %sub3A_29, %div3A : i32
    %mul3A_31 = arith.constant 128 : i32
    %mul3A_32 = arith.muli %select_n3A_9, %mul3A_31 : i32
    %mul3A_33 = arith.constant 32 : i32
    %mul3A_34 = arith.muli %select_n3A_30, %mul3A_33 : i32
    %add3A_35 = arith.constant 4096 : i32
    %add3A_36 = arith.addi %mul3A_32, %add3A_35 : i32
    %add3A_37 = arith.constant 32 : i32
    %add3A_38 = arith.addi %mul3A_34, %add3A_37 : i32
    %sub3A_39 = arith.constant 1 : i32
    %sub3A_40 = arith.subi %add3A_38, %sub3A_39 : i32
    %sub3A_41 = arith.subi %add3A_36, %sub3A_40 : i32
    %jit3A_42 = arith.constant 8 : i32
    %div3A_43 = arith.divsi %sub3A_41, %jit3A_42 : i32
    %sign3A_44 = arith.constant 0 : i32
    %sign3A_45 = arith.cmpi sgt, %sub3A_41, %sign3A_44 : i32
    %sign3A_46 = arith.extui %sign3A_45 : i1 to i32
    %sign3A_47 = arith.constant 0 : i32
    %sign3A_48 = arith.cmpi slt, %sub3A_41, %sign3A_47 : i32
    %sign3A_49 = arith.extui %sign3A_48 : i1 to i32
    %sign3A_50 = arith.subi %sign3A_46, %sign3A_49 : i32
    %sign3A_51 = arith.constant 0 : i32
    %sign3A_52 = arith.cmpi sgt, %jit3A_42, %sign3A_51 : i32
    %sign3A_53 = arith.extui %sign3A_52 : i1 to i32
    %sign3A_54 = arith.constant 0 : i32
    %sign3A_55 = arith.cmpi slt, %jit3A_42, %sign3A_54 : i32
    %sign3A_56 = arith.extui %sign3A_55 : i1 to i32
    %sign3A_57 = arith.subi %sign3A_53, %sign3A_56 : i32
    %ne3A_58 = arith.cmpi ne, %sign3A_50, %sign3A_57 : i32
    %rem3A_59 = arith.remsi %sub3A_41, %jit3A_42 : i32
    %ne3A_60 = arith.constant 0 : i32
    %ne3A_61 = arith.cmpi ne, %rem3A_59, %ne3A_60 : i32
    %and3A_62 = arith.andi %ne3A_58, %ne3A_61 : i1
    %sub3A_63 = arith.constant 1 : i32
    %sub3A_64 = arith.subi %div3A_43, %sub3A_63 : i32
    %select_n3A_65 = arith.select %and3A_62, %sub3A_64, %div3A_43 : i32
    %mul3A_66 = arith.constant 8 : i32
    %mul3A_67 = arith.muli %select_n3A_65, %mul3A_66 : i32
    %mul3A_68 = arith.constant 128 : i32
    %mul3A_69 = arith.muli %mul3A_67, %mul3A_68 : i32
    %dma_start3A = tpu.memref_slice %arg2[%mul3A_69] : memref<1048576xf32, #tpu.memory_space<hbm>> -> memref<20480xf32, #tpu.memory_space<hbm>>
    %dma_start3A_70 = tpu.memref_slice %arg2[%mul3A_69] : memref<1048576xf32, #tpu.memory_space<hbm>> -> memref<20480xf32, #tpu.memory_space<hbm>>
    tpu.enqueue_dma source(%dma_start3A_70 : memref<20480xf32, #tpu.memory_space<hbm>>) target(%arg4 : memref<20480xf32, #tpu.memory_space<vmem>>) target_semaphore(%arg5 : memref<!tpu.dma_semaphore, #tpu.memory_space<semaphore_mem>>)
    %dma_wait3A = tpu.memref_slice %arg2[%mul3A_69] : memref<1048576xf32, #tpu.memory_space<hbm>> -> memref<20480xf32, #tpu.memory_space<hbm>>
    %dma_wait3A_71 = tpu.memref_slice %arg2[%mul3A_69] : memref<1048576xf32, #tpu.memory_space<hbm>> -> memref<20480xf32, #tpu.memory_space<hbm>>
    tpu.wait_dma2 semaphore(%arg5 : memref<!tpu.dma_semaphore, #tpu.memory_space<semaphore_mem>>) src(%dma_wait3A_71 : memref<20480xf32, #tpu.memory_space<hbm>>) dst(%arg4 : memref<20480xf32, #tpu.memory_space<vmem>>)
    %add3A_72 = arith.constant 0 : i32
    %add3A_73 = arith.addi %mul3A_34, %add3A_72 : i32
    %add3A_74 = arith.constant 4096 : i32
    %add3A_75 = arith.addi %mul3A_32, %add3A_74 : i32
    %sub3A_76 = arith.subi %add3A_75, %add3A_73 : i32
    %sub3A_77 = arith.subi %sub3A_76, %mul3A_67 : i32
    %mul3A_78 = arith.constant 128 : i32
    %mul3A_79 = arith.muli %sub3A_77, %mul3A_78 : i32
    %mul3A_80 = arith.constant 4096 : i32
    %mul3A_81 = arith.muli %add3A_73, %mul3A_80 : i32
    %add3A_82 = arith.addi %mul3A_81, %mul3A_32 : i32
    %mul3A_83 = arith.constant 128 : i32
    %mul3A_84 = arith.muli %add3A_82, %mul3A_83 : i32
    %dma_start3A_85 = tpu.memref_slice %arg4[%mul3A_79] : memref<20480xf32, #tpu.memory_space<vmem>> -> memref<16384xf32, #tpu.memory_space<vmem>>
    %dma_start3A_86 = tpu.memref_slice %arg3[%mul3A_84] : memref<16777216xf32, #tpu.memory_space<hbm>> -> memref<16384xf32, #tpu.memory_space<hbm>>
    %dma_start3A_87 = tpu.memref_slice %arg3[%mul3A_84] : memref<16777216xf32, #tpu.memory_space<hbm>> -> memref<16384xf32, #tpu.memory_space<hbm>>
    %dma_start3A_88 = tpu.memref_slice %arg4[%mul3A_79] : memref<20480xf32, #tpu.memory_space<vmem>> -> memref<16384xf32, #tpu.memory_space<vmem>>
    tpu.enqueue_dma source(%dma_start3A_88 : memref<16384xf32, #tpu.memory_space<vmem>>) target(%dma_start3A_87 : memref<16384xf32, #tpu.memory_space<hbm>>) target_semaphore(%arg6 : memref<!tpu.dma_semaphore, #tpu.memory_space<semaphore_mem>>)
    %add3A_89 = arith.constant 1 : i32
    %add3A_90 = arith.addi %mul3A_34, %add3A_89 : i32
    %add3A_91 = arith.constant 4096 : i32
    %add3A_92 = arith.addi %mul3A_32, %add3A_91 : i32
    %sub3A_93 = arith.subi %add3A_92, %add3A_90 : i32
    %sub3A_94 = arith.subi %sub3A_93, %mul3A_67 : i32
    %mul3A_95 = arith.constant 128 : i32
    %mul3A_96 = arith.muli %sub3A_94, %mul3A_95 : i32
    %mul3A_97 = arith.constant 4096 : i32
    %mul3A_98 = arith.muli %add3A_90, %mul3A_97 : i32
    %add3A_99 = arith.addi %mul3A_98, %mul3A_32 : i32
    %mul3A_100 = arith.constant 128 : i32
    %mul3A_101 = arith.muli %add3A_99, %mul3A_100 : i32
    %dma_start3A_102 = tpu.memref_slice %arg4[%mul3A_96] : memref<20480xf32, #tpu.memory_space<vmem>> -> memref<16384xf32, #tpu.memory_space<vmem>>
    %dma_start3A_103 = tpu.memref_slice %arg3[%mul3A_101] : memref<16777216xf32, #tpu.memory_space<hbm>> -> memref<16384xf32, #tpu.memory_space<hbm>>
    %dma_start3A_104 = tpu.memref_slice %arg3[%mul3A_101] : memref<16777216xf32, #tpu.memory_space<hbm>> -> memref<16384xf32, #tpu.memory_space<hbm>>
    %dma_start3A_105 = tpu.memref_slice %arg4[%mul3A_96] : memref<20480xf32, #tpu.memory_space<vmem>> -> memref<16384xf32, #tpu.memory_space<vmem>>
    tpu.enqueue_dma source(%dma_start3A_105 : memref<16384xf32, #tpu.memory_space<vmem>>) target(%dma_start3A_104 : memref<16384xf32, #tpu.memory_space<hbm>>) target_semaphore(%arg6 : memref<!tpu.dma_semaphore, #tpu.memory_space<semaphore_mem>>)
    %add3A_106 = arith.constant 2 : i32
    %add3A_107 = arith.addi %mul3A_34, %add3A_106 : i32
    %add3A_108 = arith.constant 4096 : i32
    %add3A_109 = arith.addi %mul3A_32, %add3A_108 : i32
    %sub3A_110 = arith.subi %add3A_109, %add3A_107 : i32
    %sub3A_111 = arith.subi %sub3A_110, %mul3A_67 : i32
    %mul3A_112 = arith.constant 128 : i32
    %mul3A_113 = arith.muli %sub3A_111, %mul3A_112 : i32
    %mul3A_114 = arith.constant 4096 : i32
    %mul3A_115 = arith.muli %add3A_107, %mul3A_114 : i32
    %add3A_116 = arith.addi %mul3A_115, %mul3A_32 : i32
    %mul3A_117 = arith.constant 128 : i32
    %mul3A_118 = arith.muli %add3A_116, %mul3A_117 : i32
    %dma_start3A_119 = tpu.memref_slice %arg4[%mul3A_113] : memref<20480xf32, #tpu.memory_space<vmem>> -> memref<16384xf32, #tpu.memory_space<vmem>>
    %dma_start3A_120 = tpu.memref_slice %arg3[%mul3A_118] : memref<16777216xf32, #tpu.memory_space<hbm>> -> memref<16384xf32, #tpu.memory_space<hbm>>
    %dma_start3A_121 = tpu.memref_slice %arg3[%mul3A_118] : memref<16777216xf32, #tpu.memory_space<hbm>> -> memref<16384xf32, #tpu.memory_space<hbm>>
    %dma_start3A_122 = tpu.memref_slice %arg4[%mul3A_113] : memref<20480xf32, #tpu.memory_space<vmem>> -> memref<16384xf32, #tpu.memory_space<vmem>>
    tpu.enqueue_dma source(%dma_start3A_122 : memref<16384xf32, #tpu.memory_space<vmem>>) target(%dma_start3A_121 : memref<16384xf32, #tpu.memory_space<hbm>>) target_semaphore(%arg6 : memref<!tpu.dma_semaphore, #tpu.memory_space<semaphore_mem>>)
    %add3A_123 = arith.constant 3 : i32
    %add3A_124 = arith.addi %mul3A_34, %add3A_123 : i32
    %add3A_125 = arith.constant 4096 : i32
    %add3A_126 = arith.addi %mul3A_32, %add3A_125 : i32
    %sub3A_127 = arith.subi %add3A_126, %add3A_124 : i32
    %sub3A_128 = arith.subi %sub3A_127, %mul3A_67 : i32
    %mul3A_129 = arith.constant 128 : i32
    %mul3A_130 = arith.muli %sub3A_128, %mul3A_129 : i32
    %mul3A_131 = arith.constant 4096 : i32
    %mul3A_132 = arith.muli %add3A_124, %mul3A_131 : i32
    %add3A_133 = arith.addi %mul3A_132, %mul3A_32 : i32
    %mul3A_134 = arith.constant 128 : i32
    %mul3A_135 = arith.muli %add3A_133, %mul3A_134 : i32
    %dma_start3A_136 = tpu.memref_slice %arg4[%mul3A_130] : memref<20480xf32, #tpu.memory_space<vmem>> -> memref<16384xf32, #tpu.memory_space<vmem>>
    %dma_start3A_137 = tpu.memref_slice %arg3[%mul3A_135] : memref<16777216xf32, #tpu.memory_space<hbm>> -> memref<16384xf32, #tpu.memory_space<hbm>>
    %dma_start3A_138 = tpu.memref_slice %arg3[%mul3A_135] : memref<16777216xf32, #tpu.memory_space<hbm>> -> memref<16384xf32, #tpu.memory_space<hbm>>
    %dma_start3A_139 = tpu.memref_slice %arg4[%mul3A_130] : memref<20480xf32, #tpu.memory_space<vmem>> -> memref<16384xf32, #tpu.memory_space<vmem>>
    tpu.enqueue_dma source(%dma_start3A_139 : memref<16384xf32, #tpu.memory_space<vmem>>) target(%dma_start3A_138 : memref<16384xf32, #tpu.memory_space<hbm>>) target_semaphore(%arg6 : memref<!tpu.dma_semaphore, #tpu.memory_space<semaphore_mem>>)
    %add3A_140 = arith.constant 4 : i32
    %add3A_141 = arith.addi %mul3A_34, %add3A_140 : i32
    %add3A_142 = arith.constant 4096 : i32
    %add3A_143 = arith.addi %mul3A_32, %add3A_142 : i32
    %sub3A_144 = arith.subi %add3A_143, %add3A_141 : i32
    %sub3A_145 = arith.subi %sub3A_144, %mul3A_67 : i32
    %mul3A_146 = arith.constant 128 : i32
    %mul3A_147 = arith.muli %sub3A_145, %mul3A_146 : i32
    %mul3A_148 = arith.constant 4096 : i32
    %mul3A_149 = arith.muli %add3A_141, %mul3A_148 : i32
    %add3A_150 = arith.addi %mul3A_149, %mul3A_32 : i32
    %mul3A_151 = arith.constant 128 : i32
    %mul3A_152 = arith.muli %add3A_150, %mul3A_151 : i32
    %dma_start3A_153 = tpu.memref_slice %arg4[%mul3A_147] : memref<20480xf32, #tpu.memory_space<vmem>> -> memref<16384xf32, #tpu.memory_space<vmem>>
    %dma_start3A_154 = tpu.memref_slice %arg3[%mul3A_152] : memref<16777216xf32, #tpu.memory_space<hbm>> -> memref<16384xf32, #tpu.memory_space<hbm>>
    %dma_start3A_155 = tpu.memref_slice %arg3[%mul3A_152] : memref<16777216xf32, #tpu.memory_space<hbm>> -> memref<16384xf32, #tpu.memory_space<hbm>>
    %dma_start3A_156 = tpu.memref_slice %arg4[%mul3A_147] : memref<20480xf32, #tpu.memory_space<vmem>> -> memref<16384xf32, #tpu.memory_space<vmem>>
    tpu.enqueue_dma source(%dma_start3A_156 : memref<16384xf32, #tpu.memory_space<vmem>>) target(%dma_start3A_155 : memref<16384xf32, #tpu.memory_space<hbm>>) target_semaphore(%arg6 : memref<!tpu.dma_semaphore, #tpu.memory_space<semaphore_mem>>)
    %add3A_157 = arith.constant 5 : i32
    %add3A_158 = arith.addi %mul3A_34, %add3A_157 : i32
    %add3A_159 = arith.constant 4096 : i32
    %add3A_160 = arith.addi %mul3A_32, %add3A_159 : i32
    %sub3A_161 = arith.subi %add3A_160, %add3A_158 : i32
    %sub3A_162 = arith.subi %sub3A_161, %mul3A_67 : i32
    %mul3A_163 = arith.constant 128 : i32
    %mul3A_164 = arith.muli %sub3A_162, %mul3A_163 : i32
    %mul3A_165 = arith.constant 4096 : i32
    %mul3A_166 = arith.muli %add3A_158, %mul3A_165 : i32
    %add3A_167 = arith.addi %mul3A_166, %mul3A_32 : i32
    %mul3A_168 = arith.constant 128 : i32
    %mul3A_169 = arith.muli %add3A_167, %mul3A_168 : i32
    %dma_start3A_170 = tpu.memref_slice %arg4[%mul3A_164] : memref<20480xf32, #tpu.memory_space<vmem>> -> memref<16384xf32, #tpu.memory_space<vmem>>
    %dma_start3A_171 = tpu.memref_slice %arg3[%mul3A_169] : memref<16777216xf32, #tpu.memory_space<hbm>> -> memref<16384xf32, #tpu.memory_space<hbm>>
    %dma_start3A_172 = tpu.memref_slice %arg3[%mul3A_169] : memref<16777216xf32, #tpu.memory_space<hbm>> -> memref<16384xf32, #tpu.memory_space<hbm>>
    %dma_start3A_173 = tpu.memref_slice %arg4[%mul3A_164] : memref<20480xf32, #tpu.memory_space<vmem>> -> memref<16384xf32, #tpu.memory_space<vmem>>
    tpu.enqueue_dma source(%dma_start3A_173 : memref<16384xf32, #tpu.memory_space<vmem>>) target(%dma_start3A_172 : memref<16384xf32, #tpu.memory_space<hbm>>) target_semaphore(%arg6 : memref<!tpu.dma_semaphore, #tpu.memory_space<semaphore_mem>>)
    %add3A_174 = arith.constant 6 : i32
    %add3A_175 = arith.addi %mul3A_34, %add3A_174 : i32
    %add3A_176 = arith.constant 4096 : i32
    %add3A_177 = arith.addi %mul3A_32, %add3A_176 : i32
    %sub3A_178 = arith.subi %add3A_177, %add3A_175 : i32
    %sub3A_179 = arith.subi %sub3A_178, %mul3A_67 : i32
    %mul3A_180 = arith.constant 128 : i32
    %mul3A_181 = arith.muli %sub3A_179, %mul3A_180 : i32
    %mul3A_182 = arith.constant 4096 : i32
    %mul3A_183 = arith.muli %add3A_175, %mul3A_182 : i32
    %add3A_184 = arith.addi %mul3A_183, %mul3A_32 : i32
    %mul3A_185 = arith.constant 128 : i32
    %mul3A_186 = arith.muli %add3A_184, %mul3A_185 : i32
    %dma_start3A_187 = tpu.memref_slice %arg4[%mul3A_181] : memref<20480xf32, #tpu.memory_space<vmem>> -> memref<16384xf32, #tpu.memory_space<vmem>>
    %dma_start3A_188 = tpu.memref_slice %arg3[%mul3A_186] : memref<16777216xf32, #tpu.memory_space<hbm>> -> memref<16384xf32, #tpu.memory_space<hbm>>
    %dma_start3A_189 = tpu.memref_slice %arg3[%mul3A_186] : memref<16777216xf32, #tpu.memory_space<hbm>> -> memref<16384xf32, #tpu.memory_space<hbm>>
    %dma_start3A_190 = tpu.memref_slice %arg4[%mul3A_181] : memref<20480xf32, #tpu.memory_space<vmem>> -> memref<16384xf32, #tpu.memory_space<vmem>>
    tpu.enqueue_dma source(%dma_start3A_190 : memref<16384xf32, #tpu.memory_space<vmem>>) target(%dma_start3A_189 : memref<16384xf32, #tpu.memory_space<hbm>>) target_semaphore(%arg6 : memref<!tpu.dma_semaphore, #tpu.memory_space<semaphore_mem>>)
    %add3A_191 = arith.constant 7 : i32
    %add3A_192 = arith.addi %mul3A_34, %add3A_191 : i32
    %add3A_193 = arith.constant 4096 : i32
    %add3A_194 = arith.addi %mul3A_32, %add3A_193 : i32
    %sub3A_195 = arith.subi %add3A_194, %add3A_192 : i32
    %sub3A_196 = arith.subi %sub3A_195, %mul3A_67 : i32
    %mul3A_197 = arith.constant 128 : i32
    %mul3A_198 = arith.muli %sub3A_196, %mul3A_197 : i32
    %mul3A_199 = arith.constant 4096 : i32
    %mul3A_200 = arith.muli %add3A_192, %mul3A_199 : i32
    %add3A_201 = arith.addi %mul3A_200, %mul3A_32 : i32
    %mul3A_202 = arith.constant 128 : i32
    %mul3A_203 = arith.muli %add3A_201, %mul3A_202 : i32
    %dma_start3A_204 = tpu.memref_slice %arg4[%mul3A_198] : memref<20480xf32, #tpu.memory_space<vmem>> -> memref<16384xf32, #tpu.memory_space<vmem>>
    %dma_start3A_205 = tpu.memref_slice %arg3[%mul3A_203] : memref<16777216xf32, #tpu.memory_space<hbm>> -> memref<16384xf32, #tpu.memory_space<hbm>>
    %dma_start3A_206 = tpu.memref_slice %arg3[%mul3A_203] : memref<16777216xf32, #tpu.memory_space<hbm>> -> memref<16384xf32, #tpu.memory_space<hbm>>
    %dma_start3A_207 = tpu.memref_slice %arg4[%mul3A_198] : memref<20480xf32, #tpu.memory_space<vmem>> -> memref<16384xf32, #tpu.memory_space<vmem>>
    tpu.enqueue_dma source(%dma_start3A_207 : memref<16384xf32, #tpu.memory_space<vmem>>) target(%dma_start3A_206 : memref<16384xf32, #tpu.memory_space<hbm>>) target_semaphore(%arg6 : memref<!tpu.dma_semaphore, #tpu.memory_space<semaphore_mem>>)
    %add3A_208 = arith.constant 8 : i32
    %add3A_209 = arith.addi %mul3A_34, %add3A_208 : i32
    %add3A_210 = arith.constant 4096 : i32
    %add3A_211 = arith.addi %mul3A_32, %add3A_210 : i32
    %sub3A_212 = arith.subi %add3A_211, %add3A_209 : i32
    %sub3A_213 = arith.subi %sub3A_212, %mul3A_67 : i32
    %mul3A_214 = arith.constant 128 : i32
    %mul3A_215 = arith.muli %sub3A_213, %mul3A_214 : i32
    %mul3A_216 = arith.constant 4096 : i32
    %mul3A_217 = arith.muli %add3A_209, %mul3A_216 : i32
    %add3A_218 = arith.addi %mul3A_217, %mul3A_32 : i32
    %mul3A_219 = arith.constant 128 : i32
    %mul3A_220 = arith.muli %add3A_218, %mul3A_219 : i32
    %dma_start3A_221 = tpu.memref_slice %arg4[%mul3A_215] : memref<20480xf32, #tpu.memory_space<vmem>> -> memref<16384xf32, #tpu.memory_space<vmem>>
    %dma_start3A_222 = tpu.memref_slice %arg3[%mul3A_220] : memref<16777216xf32, #tpu.memory_space<hbm>> -> memref<16384xf32, #tpu.memory_space<hbm>>
    %dma_start3A_223 = tpu.memref_slice %arg3[%mul3A_220] : memref<16777216xf32, #tpu.memory_space<hbm>> -> memref<16384xf32, #tpu.memory_space<hbm>>
    %dma_start3A_224 = tpu.memref_slice %arg4[%mul3A_215] : memref<20480xf32, #tpu.memory_space<vmem>> -> memref<16384xf32, #tpu.memory_space<vmem>>
    tpu.enqueue_dma source(%dma_start3A_224 : memref<16384xf32, #tpu.memory_space<vmem>>) target(%dma_start3A_223 : memref<16384xf32, #tpu.memory_space<hbm>>) target_semaphore(%arg6 : memref<!tpu.dma_semaphore, #tpu.memory_space<semaphore_mem>>)
    %add3A_225 = arith.constant 9 : i32
    %add3A_226 = arith.addi %mul3A_34, %add3A_225 : i32
    %add3A_227 = arith.constant 4096 : i32
    %add3A_228 = arith.addi %mul3A_32, %add3A_227 : i32
    %sub3A_229 = arith.subi %add3A_228, %add3A_226 : i32
    %sub3A_230 = arith.subi %sub3A_229, %mul3A_67 : i32
    %mul3A_231 = arith.constant 128 : i32
    %mul3A_232 = arith.muli %sub3A_230, %mul3A_231 : i32
    %mul3A_233 = arith.constant 4096 : i32
    %mul3A_234 = arith.muli %add3A_226, %mul3A_233 : i32
    %add3A_235 = arith.addi %mul3A_234, %mul3A_32 : i32
    %mul3A_236 = arith.constant 128 : i32
    %mul3A_237 = arith.muli %add3A_235, %mul3A_236 : i32
    %dma_start3A_238 = tpu.memref_slice %arg4[%mul3A_232] : memref<20480xf32, #tpu.memory_space<vmem>> -> memref<16384xf32, #tpu.memory_space<vmem>>
    %dma_start3A_239 = tpu.memref_slice %arg3[%mul3A_237] : memref<16777216xf32, #tpu.memory_space<hbm>> -> memref<16384xf32, #tpu.memory_space<hbm>>
    %dma_start3A_240 = tpu.memref_slice %arg3[%mul3A_237] : memref<16777216xf32, #tpu.memory_space<hbm>> -> memref<16384xf32, #tpu.memory_space<hbm>>
    %dma_start3A_241 = tpu.memref_slice %arg4[%mul3A_232] : memref<20480xf32, #tpu.memory_space<vmem>> -> memref<16384xf32, #tpu.memory_space<vmem>>
    tpu.enqueue_dma source(%dma_start3A_241 : memref<16384xf32, #tpu.memory_space<vmem>>) target(%dma_start3A_240 : memref<16384xf32, #tpu.memory_space<hbm>>) target_semaphore(%arg6 : memref<!tpu.dma_semaphore, #tpu.memory_space<semaphore_mem>>)
    %add3A_242 = arith.constant 10 : i32
    %add3A_243 = arith.addi %mul3A_34, %add3A_242 : i32
    %add3A_244 = arith.constant 4096 : i32
    %add3A_245 = arith.addi %mul3A_32, %add3A_244 : i32
    %sub3A_246 = arith.subi %add3A_245, %add3A_243 : i32
    %sub3A_247 = arith.subi %sub3A_246, %mul3A_67 : i32
    %mul3A_248 = arith.constant 128 : i32
    %mul3A_249 = arith.muli %sub3A_247, %mul3A_248 : i32
    %mul3A_250 = arith.constant 4096 : i32
    %mul3A_251 = arith.muli %add3A_243, %mul3A_250 : i32
    %add3A_252 = arith.addi %mul3A_251, %mul3A_32 : i32
    %mul3A_253 = arith.constant 128 : i32
    %mul3A_254 = arith.muli %add3A_252, %mul3A_253 : i32
    %dma_start3A_255 = tpu.memref_slice %arg4[%mul3A_249] : memref<20480xf32, #tpu.memory_space<vmem>> -> memref<16384xf32, #tpu.memory_space<vmem>>
    %dma_start3A_256 = tpu.memref_slice %arg3[%mul3A_254] : memref<16777216xf32, #tpu.memory_space<hbm>> -> memref<16384xf32, #tpu.memory_space<hbm>>
    %dma_start3A_257 = tpu.memref_slice %arg3[%mul3A_254] : memref<16777216xf32, #tpu.memory_space<hbm>> -> memref<16384xf32, #tpu.memory_space<hbm>>
    %dma_start3A_258 = tpu.memref_slice %arg4[%mul3A_249] : memref<20480xf32, #tpu.memory_space<vmem>> -> memref<16384xf32, #tpu.memory_space<vmem>>
    tpu.enqueue_dma source(%dma_start3A_258 : memref<16384xf32, #tpu.memory_space<vmem>>) target(%dma_start3A_257 : memref<16384xf32, #tpu.memory_space<hbm>>) target_semaphore(%arg6 : memref<!tpu.dma_semaphore, #tpu.memory_space<semaphore_mem>>)
    %add3A_259 = arith.constant 11 : i32
    %add3A_260 = arith.addi %mul3A_34, %add3A_259 : i32
    %add3A_261 = arith.constant 4096 : i32
    %add3A_262 = arith.addi %mul3A_32, %add3A_261 : i32
    %sub3A_263 = arith.subi %add3A_262, %add3A_260 : i32
    %sub3A_264 = arith.subi %sub3A_263, %mul3A_67 : i32
    %mul3A_265 = arith.constant 128 : i32
    %mul3A_266 = arith.muli %sub3A_264, %mul3A_265 : i32
    %mul3A_267 = arith.constant 4096 : i32
    %mul3A_268 = arith.muli %add3A_260, %mul3A_267 : i32
    %add3A_269 = arith.addi %mul3A_268, %mul3A_32 : i32
    %mul3A_270 = arith.constant 128 : i32
    %mul3A_271 = arith.muli %add3A_269, %mul3A_270 : i32
    %dma_start3A_272 = tpu.memref_slice %arg4[%mul3A_266] : memref<20480xf32, #tpu.memory_space<vmem>> -> memref<16384xf32, #tpu.memory_space<vmem>>
    %dma_start3A_273 = tpu.memref_slice %arg3[%mul3A_271] : memref<16777216xf32, #tpu.memory_space<hbm>> -> memref<16384xf32, #tpu.memory_space<hbm>>
    %dma_start3A_274 = tpu.memref_slice %arg3[%mul3A_271] : memref<16777216xf32, #tpu.memory_space<hbm>> -> memref<16384xf32, #tpu.memory_space<hbm>>
    %dma_start3A_275 = tpu.memref_slice %arg4[%mul3A_266] : memref<20480xf32, #tpu.memory_space<vmem>> -> memref<16384xf32, #tpu.memory_space<vmem>>
    tpu.enqueue_dma source(%dma_start3A_275 : memref<16384xf32, #tpu.memory_space<vmem>>) target(%dma_start3A_274 : memref<16384xf32, #tpu.memory_space<hbm>>) target_semaphore(%arg6 : memref<!tpu.dma_semaphore, #tpu.memory_space<semaphore_mem>>)
    %add3A_276 = arith.constant 12 : i32
    %add3A_277 = arith.addi %mul3A_34, %add3A_276 : i32
    %add3A_278 = arith.constant 4096 : i32
    %add3A_279 = arith.addi %mul3A_32, %add3A_278 : i32
    %sub3A_280 = arith.subi %add3A_279, %add3A_277 : i32
    %sub3A_281 = arith.subi %sub3A_280, %mul3A_67 : i32
    %mul3A_282 = arith.constant 128 : i32
    %mul3A_283 = arith.muli %sub3A_281, %mul3A_282 : i32
    %mul3A_284 = arith.constant 4096 : i32
    %mul3A_285 = arith.muli %add3A_277, %mul3A_284 : i32
    %add3A_286 = arith.addi %mul3A_285, %mul3A_32 : i32
    %mul3A_287 = arith.constant 128 : i32
    %mul3A_288 = arith.muli %add3A_286, %mul3A_287 : i32
    %dma_start3A_289 = tpu.memref_slice %arg4[%mul3A_283] : memref<20480xf32, #tpu.memory_space<vmem>> -> memref<16384xf32, #tpu.memory_space<vmem>>
    %dma_start3A_290 = tpu.memref_slice %arg3[%mul3A_288] : memref<16777216xf32, #tpu.memory_space<hbm>> -> memref<16384xf32, #tpu.memory_space<hbm>>
    %dma_start3A_291 = tpu.memref_slice %arg3[%mul3A_288] : memref<16777216xf32, #tpu.memory_space<hbm>> -> memref<16384xf32, #tpu.memory_space<hbm>>
    %dma_start3A_292 = tpu.memref_slice %arg4[%mul3A_283] : memref<20480xf32, #tpu.memory_space<vmem>> -> memref<16384xf32, #tpu.memory_space<vmem>>
    tpu.enqueue_dma source(%dma_start3A_292 : memref<16384xf32, #tpu.memory_space<vmem>>) target(%dma_start3A_291 : memref<16384xf32, #tpu.memory_space<hbm>>) target_semaphore(%arg6 : memref<!tpu.dma_semaphore, #tpu.memory_space<semaphore_mem>>)
    %add3A_293 = arith.constant 13 : i32
    %add3A_294 = arith.addi %mul3A_34, %add3A_293 : i32
    %add3A_295 = arith.constant 4096 : i32
    %add3A_296 = arith.addi %mul3A_32, %add3A_295 : i32
    %sub3A_297 = arith.subi %add3A_296, %add3A_294 : i32
    %sub3A_298 = arith.subi %sub3A_297, %mul3A_67 : i32
    %mul3A_299 = arith.constant 128 : i32
    %mul3A_300 = arith.muli %sub3A_298, %mul3A_299 : i32
    %mul3A_301 = arith.constant 4096 : i32
    %mul3A_302 = arith.muli %add3A_294, %mul3A_301 : i32
    %add3A_303 = arith.addi %mul3A_302, %mul3A_32 : i32
    %mul3A_304 = arith.constant 128 : i32
    %mul3A_305 = arith.muli %add3A_303, %mul3A_304 : i32
    %dma_start3A_306 = tpu.memref_slice %arg4[%mul3A_300] : memref<20480xf32, #tpu.memory_space<vmem>> -> memref<16384xf32, #tpu.memory_space<vmem>>
    %dma_start3A_307 = tpu.memref_slice %arg3[%mul3A_305] : memref<16777216xf32, #tpu.memory_space<hbm>> -> memref<16384xf32, #tpu.memory_space<hbm>>
    %dma_start3A_308 = tpu.memref_slice %arg3[%mul3A_305] : memref<16777216xf32, #tpu.memory_space<hbm>> -> memref<16384xf32, #tpu.memory_space<hbm>>
    %dma_start3A_309 = tpu.memref_slice %arg4[%mul3A_300] : memref<20480xf32, #tpu.memory_space<vmem>> -> memref<16384xf32, #tpu.memory_space<vmem>>
    tpu.enqueue_dma source(%dma_start3A_309 : memref<16384xf32, #tpu.memory_space<vmem>>) target(%dma_start3A_308 : memref<16384xf32, #tpu.memory_space<hbm>>) target_semaphore(%arg6 : memref<!tpu.dma_semaphore, #tpu.memory_space<semaphore_mem>>)
    %add3A_310 = arith.constant 14 : i32
    %add3A_311 = arith.addi %mul3A_34, %add3A_310 : i32
    %add3A_312 = arith.constant 4096 : i32
    %add3A_313 = arith.addi %mul3A_32, %add3A_312 : i32
    %sub3A_314 = arith.subi %add3A_313, %add3A_311 : i32
    %sub3A_315 = arith.subi %sub3A_314, %mul3A_67 : i32
    %mul3A_316 = arith.constant 128 : i32
    %mul3A_317 = arith.muli %sub3A_315, %mul3A_316 : i32
    %mul3A_318 = arith.constant 4096 : i32
    %mul3A_319 = arith.muli %add3A_311, %mul3A_318 : i32
    %add3A_320 = arith.addi %mul3A_319, %mul3A_32 : i32
    %mul3A_321 = arith.constant 128 : i32
    %mul3A_322 = arith.muli %add3A_320, %mul3A_321 : i32
    %dma_start3A_323 = tpu.memref_slice %arg4[%mul3A_317] : memref<20480xf32, #tpu.memory_space<vmem>> -> memref<16384xf32, #tpu.memory_space<vmem>>
    %dma_start3A_324 = tpu.memref_slice %arg3[%mul3A_322] : memref<16777216xf32, #tpu.memory_space<hbm>> -> memref<16384xf32, #tpu.memory_space<hbm>>
    %dma_start3A_325 = tpu.memref_slice %arg3[%mul3A_322] : memref<16777216xf32, #tpu.memory_space<hbm>> -> memref<16384xf32, #tpu.memory_space<hbm>>
    %dma_start3A_326 = tpu.memref_slice %arg4[%mul3A_317] : memref<20480xf32, #tpu.memory_space<vmem>> -> memref<16384xf32, #tpu.memory_space<vmem>>
    tpu.enqueue_dma source(%dma_start3A_326 : memref<16384xf32, #tpu.memory_space<vmem>>) target(%dma_start3A_325 : memref<16384xf32, #tpu.memory_space<hbm>>) target_semaphore(%arg6 : memref<!tpu.dma_semaphore, #tpu.memory_space<semaphore_mem>>)
    %add3A_327 = arith.constant 15 : i32
    %add3A_328 = arith.addi %mul3A_34, %add3A_327 : i32
    %add3A_329 = arith.constant 4096 : i32
    %add3A_330 = arith.addi %mul3A_32, %add3A_329 : i32
    %sub3A_331 = arith.subi %add3A_330, %add3A_328 : i32
    %sub3A_332 = arith.subi %sub3A_331, %mul3A_67 : i32
    %mul3A_333 = arith.constant 128 : i32
    %mul3A_334 = arith.muli %sub3A_332, %mul3A_333 : i32
    %mul3A_335 = arith.constant 4096 : i32
    %mul3A_336 = arith.muli %add3A_328, %mul3A_335 : i32
    %add3A_337 = arith.addi %mul3A_336, %mul3A_32 : i32
    %mul3A_338 = arith.constant 128 : i32
    %mul3A_339 = arith.muli %add3A_337, %mul3A_338 : i32
    %dma_start3A_340 = tpu.memref_slice %arg4[%mul3A_334] : memref<20480xf32, #tpu.memory_space<vmem>> -> memref<16384xf32, #tpu.memory_space<vmem>>
    %dma_start3A_341 = tpu.memref_slice %arg3[%mul3A_339] : memref<16777216xf32, #tpu.memory_space<hbm>> -> memref<16384xf32, #tpu.memory_space<hbm>>
    %dma_start3A_342 = tpu.memref_slice %arg3[%mul3A_339] : memref<16777216xf32, #tpu.memory_space<hbm>> -> memref<16384xf32, #tpu.memory_space<hbm>>
    %dma_start3A_343 = tpu.memref_slice %arg4[%mul3A_334] : memref<20480xf32, #tpu.memory_space<vmem>> -> memref<16384xf32, #tpu.memory_space<vmem>>
    tpu.enqueue_dma source(%dma_start3A_343 : memref<16384xf32, #tpu.memory_space<vmem>>) target(%dma_start3A_342 : memref<16384xf32, #tpu.memory_space<hbm>>) target_semaphore(%arg6 : memref<!tpu.dma_semaphore, #tpu.memory_space<semaphore_mem>>)
    %add3A_344 = arith.constant 16 : i32
    %add3A_345 = arith.addi %mul3A_34, %add3A_344 : i32
    %add3A_346 = arith.constant 4096 : i32
    %add3A_347 = arith.addi %mul3A_32, %add3A_346 : i32
    %sub3A_348 = arith.subi %add3A_347, %add3A_345 : i32
    %sub3A_349 = arith.subi %sub3A_348, %mul3A_67 : i32
    %mul3A_350 = arith.constant 128 : i32
    %mul3A_351 = arith.muli %sub3A_349, %mul3A_350 : i32
    %mul3A_352 = arith.constant 4096 : i32
    %mul3A_353 = arith.muli %add3A_345, %mul3A_352 : i32
    %add3A_354 = arith.addi %mul3A_353, %mul3A_32 : i32
    %mul3A_355 = arith.constant 128 : i32
    %mul3A_356 = arith.muli %add3A_354, %mul3A_355 : i32
    %dma_start3A_357 = tpu.memref_slice %arg4[%mul3A_351] : memref<20480xf32, #tpu.memory_space<vmem>> -> memref<16384xf32, #tpu.memory_space<vmem>>
    %dma_start3A_358 = tpu.memref_slice %arg3[%mul3A_356] : memref<16777216xf32, #tpu.memory_space<hbm>> -> memref<16384xf32, #tpu.memory_space<hbm>>
    %dma_start3A_359 = tpu.memref_slice %arg3[%mul3A_356] : memref<16777216xf32, #tpu.memory_space<hbm>> -> memref<16384xf32, #tpu.memory_space<hbm>>
    %dma_start3A_360 = tpu.memref_slice %arg4[%mul3A_351] : memref<20480xf32, #tpu.memory_space<vmem>> -> memref<16384xf32, #tpu.memory_space<vmem>>
    tpu.enqueue_dma source(%dma_start3A_360 : memref<16384xf32, #tpu.memory_space<vmem>>) target(%dma_start3A_359 : memref<16384xf32, #tpu.memory_space<hbm>>) target_semaphore(%arg6 : memref<!tpu.dma_semaphore, #tpu.memory_space<semaphore_mem>>)
    %add3A_361 = arith.constant 17 : i32
    %add3A_362 = arith.addi %mul3A_34, %add3A_361 : i32
    %add3A_363 = arith.constant 4096 : i32
    %add3A_364 = arith.addi %mul3A_32, %add3A_363 : i32
    %sub3A_365 = arith.subi %add3A_364, %add3A_362 : i32
    %sub3A_366 = arith.subi %sub3A_365, %mul3A_67 : i32
    %mul3A_367 = arith.constant 128 : i32
    %mul3A_368 = arith.muli %sub3A_366, %mul3A_367 : i32
    %mul3A_369 = arith.constant 4096 : i32
    %mul3A_370 = arith.muli %add3A_362, %mul3A_369 : i32
    %add3A_371 = arith.addi %mul3A_370, %mul3A_32 : i32
    %mul3A_372 = arith.constant 128 : i32
    %mul3A_373 = arith.muli %add3A_371, %mul3A_372 : i32
    %dma_start3A_374 = tpu.memref_slice %arg4[%mul3A_368] : memref<20480xf32, #tpu.memory_space<vmem>> -> memref<16384xf32, #tpu.memory_space<vmem>>
    %dma_start3A_375 = tpu.memref_slice %arg3[%mul3A_373] : memref<16777216xf32, #tpu.memory_space<hbm>> -> memref<16384xf32, #tpu.memory_space<hbm>>
    %dma_start3A_376 = tpu.memref_slice %arg3[%mul3A_373] : memref<16777216xf32, #tpu.memory_space<hbm>> -> memref<16384xf32, #tpu.memory_space<hbm>>
    %dma_start3A_377 = tpu.memref_slice %arg4[%mul3A_368] : memref<20480xf32, #tpu.memory_space<vmem>> -> memref<16384xf32, #tpu.memory_space<vmem>>
    tpu.enqueue_dma source(%dma_start3A_377 : memref<16384xf32, #tpu.memory_space<vmem>>) target(%dma_start3A_376 : memref<16384xf32, #tpu.memory_space<hbm>>) target_semaphore(%arg6 : memref<!tpu.dma_semaphore, #tpu.memory_space<semaphore_mem>>)
    %add3A_378 = arith.constant 18 : i32
    %add3A_379 = arith.addi %mul3A_34, %add3A_378 : i32
    %add3A_380 = arith.constant 4096 : i32
    %add3A_381 = arith.addi %mul3A_32, %add3A_380 : i32
    %sub3A_382 = arith.subi %add3A_381, %add3A_379 : i32
    %sub3A_383 = arith.subi %sub3A_382, %mul3A_67 : i32
    %mul3A_384 = arith.constant 128 : i32
    %mul3A_385 = arith.muli %sub3A_383, %mul3A_384 : i32
    %mul3A_386 = arith.constant 4096 : i32
    %mul3A_387 = arith.muli %add3A_379, %mul3A_386 : i32
    %add3A_388 = arith.addi %mul3A_387, %mul3A_32 : i32
    %mul3A_389 = arith.constant 128 : i32
    %mul3A_390 = arith.muli %add3A_388, %mul3A_389 : i32
    %dma_start3A_391 = tpu.memref_slice %arg4[%mul3A_385] : memref<20480xf32, #tpu.memory_space<vmem>> -> memref<16384xf32, #tpu.memory_space<vmem>>
    %dma_start3A_392 = tpu.memref_slice %arg3[%mul3A_390] : memref<16777216xf32, #tpu.memory_space<hbm>> -> memref<16384xf32, #tpu.memory_space<hbm>>
    %dma_start3A_393 = tpu.memref_slice %arg3[%mul3A_390] : memref<16777216xf32, #tpu.memory_space<hbm>> -> memref<16384xf32, #tpu.memory_space<hbm>>
    %dma_start3A_394 = tpu.memref_slice %arg4[%mul3A_385] : memref<20480xf32, #tpu.memory_space<vmem>> -> memref<16384xf32, #tpu.memory_space<vmem>>
    tpu.enqueue_dma source(%dma_start3A_394 : memref<16384xf32, #tpu.memory_space<vmem>>) target(%dma_start3A_393 : memref<16384xf32, #tpu.memory_space<hbm>>) target_semaphore(%arg6 : memref<!tpu.dma_semaphore, #tpu.memory_space<semaphore_mem>>)
    %add3A_395 = arith.constant 19 : i32
    %add3A_396 = arith.addi %mul3A_34, %add3A_395 : i32
    %add3A_397 = arith.constant 4096 : i32
    %add3A_398 = arith.addi %mul3A_32, %add3A_397 : i32
    %sub3A_399 = arith.subi %add3A_398, %add3A_396 : i32
    %sub3A_400 = arith.subi %sub3A_399, %mul3A_67 : i32
    %mul3A_401 = arith.constant 128 : i32
    %mul3A_402 = arith.muli %sub3A_400, %mul3A_401 : i32
    %mul3A_403 = arith.constant 4096 : i32
    %mul3A_404 = arith.muli %add3A_396, %mul3A_403 : i32
    %add3A_405 = arith.addi %mul3A_404, %mul3A_32 : i32
    %mul3A_406 = arith.constant 128 : i32
    %mul3A_407 = arith.muli %add3A_405, %mul3A_406 : i32
    %dma_start3A_408 = tpu.memref_slice %arg4[%mul3A_402] : memref<20480xf32, #tpu.memory_space<vmem>> -> memref<16384xf32, #tpu.memory_space<vmem>>
    %dma_start3A_409 = tpu.memref_slice %arg3[%mul3A_407] : memref<16777216xf32, #tpu.memory_space<hbm>> -> memref<16384xf32, #tpu.memory_space<hbm>>
    %dma_start3A_410 = tpu.memref_slice %arg3[%mul3A_407] : memref<16777216xf32, #tpu.memory_space<hbm>> -> memref<16384xf32, #tpu.memory_space<hbm>>
    %dma_start3A_411 = tpu.memref_slice %arg4[%mul3A_402] : memref<20480xf32, #tpu.memory_space<vmem>> -> memref<16384xf32, #tpu.memory_space<vmem>>
    tpu.enqueue_dma source(%dma_start3A_411 : memref<16384xf32, #tpu.memory_space<vmem>>) target(%dma_start3A_410 : memref<16384xf32, #tpu.memory_space<hbm>>) target_semaphore(%arg6 : memref<!tpu.dma_semaphore, #tpu.memory_space<semaphore_mem>>)
    %add3A_412 = arith.constant 20 : i32
    %add3A_413 = arith.addi %mul3A_34, %add3A_412 : i32
    %add3A_414 = arith.constant 4096 : i32
    %add3A_415 = arith.addi %mul3A_32, %add3A_414 : i32
    %sub3A_416 = arith.subi %add3A_415, %add3A_413 : i32
    %sub3A_417 = arith.subi %sub3A_416, %mul3A_67 : i32
    %mul3A_418 = arith.constant 128 : i32
    %mul3A_419 = arith.muli %sub3A_417, %mul3A_418 : i32
    %mul3A_420 = arith.constant 4096 : i32
    %mul3A_421 = arith.muli %add3A_413, %mul3A_420 : i32
    %add3A_422 = arith.addi %mul3A_421, %mul3A_32 : i32
    %mul3A_423 = arith.constant 128 : i32
    %mul3A_424 = arith.muli %add3A_422, %mul3A_423 : i32
    %dma_start3A_425 = tpu.memref_slice %arg4[%mul3A_419] : memref<20480xf32, #tpu.memory_space<vmem>> -> memref<16384xf32, #tpu.memory_space<vmem>>
    %dma_start3A_426 = tpu.memref_slice %arg3[%mul3A_424] : memref<16777216xf32, #tpu.memory_space<hbm>> -> memref<16384xf32, #tpu.memory_space<hbm>>
    %dma_start3A_427 = tpu.memref_slice %arg3[%mul3A_424] : memref<16777216xf32, #tpu.memory_space<hbm>> -> memref<16384xf32, #tpu.memory_space<hbm>>
    %dma_start3A_428 = tpu.memref_slice %arg4[%mul3A_419] : memref<20480xf32, #tpu.memory_space<vmem>> -> memref<16384xf32, #tpu.memory_space<vmem>>
    tpu.enqueue_dma source(%dma_start3A_428 : memref<16384xf32, #tpu.memory_space<vmem>>) target(%dma_start3A_427 : memref<16384xf32, #tpu.memory_space<hbm>>) target_semaphore(%arg6 : memref<!tpu.dma_semaphore, #tpu.memory_space<semaphore_mem>>)
    %add3A_429 = arith.constant 21 : i32
    %add3A_430 = arith.addi %mul3A_34, %add3A_429 : i32
    %add3A_431 = arith.constant 4096 : i32
    %add3A_432 = arith.addi %mul3A_32, %add3A_431 : i32
    %sub3A_433 = arith.subi %add3A_432, %add3A_430 : i32
    %sub3A_434 = arith.subi %sub3A_433, %mul3A_67 : i32
    %mul3A_435 = arith.constant 128 : i32
    %mul3A_436 = arith.muli %sub3A_434, %mul3A_435 : i32
    %mul3A_437 = arith.constant 4096 : i32
    %mul3A_438 = arith.muli %add3A_430, %mul3A_437 : i32
    %add3A_439 = arith.addi %mul3A_438, %mul3A_32 : i32
    %mul3A_440 = arith.constant 128 : i32
    %mul3A_441 = arith.muli %add3A_439, %mul3A_440 : i32
    %dma_start3A_442 = tpu.memref_slice %arg4[%mul3A_436] : memref<20480xf32, #tpu.memory_space<vmem>> -> memref<16384xf32, #tpu.memory_space<vmem>>
    %dma_start3A_443 = tpu.memref_slice %arg3[%mul3A_441] : memref<16777216xf32, #tpu.memory_space<hbm>> -> memref<16384xf32, #tpu.memory_space<hbm>>
    %dma_start3A_444 = tpu.memref_slice %arg3[%mul3A_441] : memref<16777216xf32, #tpu.memory_space<hbm>> -> memref<16384xf32, #tpu.memory_space<hbm>>
    %dma_start3A_445 = tpu.memref_slice %arg4[%mul3A_436] : memref<20480xf32, #tpu.memory_space<vmem>> -> memref<16384xf32, #tpu.memory_space<vmem>>
    tpu.enqueue_dma source(%dma_start3A_445 : memref<16384xf32, #tpu.memory_space<vmem>>) target(%dma_start3A_444 : memref<16384xf32, #tpu.memory_space<hbm>>) target_semaphore(%arg6 : memref<!tpu.dma_semaphore, #tpu.memory_space<semaphore_mem>>)
    %add3A_446 = arith.constant 22 : i32
    %add3A_447 = arith.addi %mul3A_34, %add3A_446 : i32
    %add3A_448 = arith.constant 4096 : i32
    %add3A_449 = arith.addi %mul3A_32, %add3A_448 : i32
    %sub3A_450 = arith.subi %add3A_449, %add3A_447 : i32
    %sub3A_451 = arith.subi %sub3A_450, %mul3A_67 : i32
    %mul3A_452 = arith.constant 128 : i32
    %mul3A_453 = arith.muli %sub3A_451, %mul3A_452 : i32
    %mul3A_454 = arith.constant 4096 : i32
    %mul3A_455 = arith.muli %add3A_447, %mul3A_454 : i32
    %add3A_456 = arith.addi %mul3A_455, %mul3A_32 : i32
    %mul3A_457 = arith.constant 128 : i32
    %mul3A_458 = arith.muli %add3A_456, %mul3A_457 : i32
    %dma_start3A_459 = tpu.memref_slice %arg4[%mul3A_453] : memref<20480xf32, #tpu.memory_space<vmem>> -> memref<16384xf32, #tpu.memory_space<vmem>>
    %dma_start3A_460 = tpu.memref_slice %arg3[%mul3A_458] : memref<16777216xf32, #tpu.memory_space<hbm>> -> memref<16384xf32, #tpu.memory_space<hbm>>
    %dma_start3A_461 = tpu.memref_slice %arg3[%mul3A_458] : memref<16777216xf32, #tpu.memory_space<hbm>> -> memref<16384xf32, #tpu.memory_space<hbm>>
    %dma_start3A_462 = tpu.memref_slice %arg4[%mul3A_453] : memref<20480xf32, #tpu.memory_space<vmem>> -> memref<16384xf32, #tpu.memory_space<vmem>>
    tpu.enqueue_dma source(%dma_start3A_462 : memref<16384xf32, #tpu.memory_space<vmem>>) target(%dma_start3A_461 : memref<16384xf32, #tpu.memory_space<hbm>>) target_semaphore(%arg6 : memref<!tpu.dma_semaphore, #tpu.memory_space<semaphore_mem>>)
    %add3A_463 = arith.constant 23 : i32
    %add3A_464 = arith.addi %mul3A_34, %add3A_463 : i32
    %add3A_465 = arith.constant 4096 : i32
    %add3A_466 = arith.addi %mul3A_32, %add3A_465 : i32
    %sub3A_467 = arith.subi %add3A_466, %add3A_464 : i32
    %sub3A_468 = arith.subi %sub3A_467, %mul3A_67 : i32
    %mul3A_469 = arith.constant 128 : i32
    %mul3A_470 = arith.muli %sub3A_468, %mul3A_469 : i32
    %mul3A_471 = arith.constant 4096 : i32
    %mul3A_472 = arith.muli %add3A_464, %mul3A_471 : i32
    %add3A_473 = arith.addi %mul3A_472, %mul3A_32 : i32
    %mul3A_474 = arith.constant 128 : i32
    %mul3A_475 = arith.muli %add3A_473, %mul3A_474 : i32
    %dma_start3A_476 = tpu.memref_slice %arg4[%mul3A_470] : memref<20480xf32, #tpu.memory_space<vmem>> -> memref<16384xf32, #tpu.memory_space<vmem>>
    %dma_start3A_477 = tpu.memref_slice %arg3[%mul3A_475] : memref<16777216xf32, #tpu.memory_space<hbm>> -> memref<16384xf32, #tpu.memory_space<hbm>>
    %dma_start3A_478 = tpu.memref_slice %arg3[%mul3A_475] : memref<16777216xf32, #tpu.memory_space<hbm>> -> memref<16384xf32, #tpu.memory_space<hbm>>
    %dma_start3A_479 = tpu.memref_slice %arg4[%mul3A_470] : memref<20480xf32, #tpu.memory_space<vmem>> -> memref<16384xf32, #tpu.memory_space<vmem>>
    tpu.enqueue_dma source(%dma_start3A_479 : memref<16384xf32, #tpu.memory_space<vmem>>) target(%dma_start3A_478 : memref<16384xf32, #tpu.memory_space<hbm>>) target_semaphore(%arg6 : memref<!tpu.dma_semaphore, #tpu.memory_space<semaphore_mem>>)
    %add3A_480 = arith.constant 24 : i32
    %add3A_481 = arith.addi %mul3A_34, %add3A_480 : i32
    %add3A_482 = arith.constant 4096 : i32
    %add3A_483 = arith.addi %mul3A_32, %add3A_482 : i32
    %sub3A_484 = arith.subi %add3A_483, %add3A_481 : i32
    %sub3A_485 = arith.subi %sub3A_484, %mul3A_67 : i32
    %mul3A_486 = arith.constant 128 : i32
    %mul3A_487 = arith.muli %sub3A_485, %mul3A_486 : i32
    %mul3A_488 = arith.constant 4096 : i32
    %mul3A_489 = arith.muli %add3A_481, %mul3A_488 : i32
    %add3A_490 = arith.addi %mul3A_489, %mul3A_32 : i32
    %mul3A_491 = arith.constant 128 : i32
    %mul3A_492 = arith.muli %add3A_490, %mul3A_491 : i32
    %dma_start3A_493 = tpu.memref_slice %arg4[%mul3A_487] : memref<20480xf32, #tpu.memory_space<vmem>> -> memref<16384xf32, #tpu.memory_space<vmem>>
    %dma_start3A_494 = tpu.memref_slice %arg3[%mul3A_492] : memref<16777216xf32, #tpu.memory_space<hbm>> -> memref<16384xf32, #tpu.memory_space<hbm>>
    %dma_start3A_495 = tpu.memref_slice %arg3[%mul3A_492] : memref<16777216xf32, #tpu.memory_space<hbm>> -> memref<16384xf32, #tpu.memory_space<hbm>>
    %dma_start3A_496 = tpu.memref_slice %arg4[%mul3A_487] : memref<20480xf32, #tpu.memory_space<vmem>> -> memref<16384xf32, #tpu.memory_space<vmem>>
    tpu.enqueue_dma source(%dma_start3A_496 : memref<16384xf32, #tpu.memory_space<vmem>>) target(%dma_start3A_495 : memref<16384xf32, #tpu.memory_space<hbm>>) target_semaphore(%arg6 : memref<!tpu.dma_semaphore, #tpu.memory_space<semaphore_mem>>)
    %add3A_497 = arith.constant 25 : i32
    %add3A_498 = arith.addi %mul3A_34, %add3A_497 : i32
    %add3A_499 = arith.constant 4096 : i32
    %add3A_500 = arith.addi %mul3A_32, %add3A_499 : i32
    %sub3A_501 = arith.subi %add3A_500, %add3A_498 : i32
    %sub3A_502 = arith.subi %sub3A_501, %mul3A_67 : i32
    %mul3A_503 = arith.constant 128 : i32
    %mul3A_504 = arith.muli %sub3A_502, %mul3A_503 : i32
    %mul3A_505 = arith.constant 4096 : i32
    %mul3A_506 = arith.muli %add3A_498, %mul3A_505 : i32
    %add3A_507 = arith.addi %mul3A_506, %mul3A_32 : i32
    %mul3A_508 = arith.constant 128 : i32
    %mul3A_509 = arith.muli %add3A_507, %mul3A_508 : i32
    %dma_start3A_510 = tpu.memref_slice %arg4[%mul3A_504] : memref<20480xf32, #tpu.memory_space<vmem>> -> memref<16384xf32, #tpu.memory_space<vmem>>
    %dma_start3A_511 = tpu.memref_slice %arg3[%mul3A_509] : memref<16777216xf32, #tpu.memory_space<hbm>> -> memref<16384xf32, #tpu.memory_space<hbm>>
    %dma_start3A_512 = tpu.memref_slice %arg3[%mul3A_509] : memref<16777216xf32, #tpu.memory_space<hbm>> -> memref<16384xf32, #tpu.memory_space<hbm>>
    %dma_start3A_513 = tpu.memref_slice %arg4[%mul3A_504] : memref<20480xf32, #tpu.memory_space<vmem>> -> memref<16384xf32, #tpu.memory_space<vmem>>
    tpu.enqueue_dma source(%dma_start3A_513 : memref<16384xf32, #tpu.memory_space<vmem>>) target(%dma_start3A_512 : memref<16384xf32, #tpu.memory_space<hbm>>) target_semaphore(%arg6 : memref<!tpu.dma_semaphore, #tpu.memory_space<semaphore_mem>>)
    %add3A_514 = arith.constant 26 : i32
    %add3A_515 = arith.addi %mul3A_34, %add3A_514 : i32
    %add3A_516 = arith.constant 4096 : i32
    %add3A_517 = arith.addi %mul3A_32, %add3A_516 : i32
    %sub3A_518 = arith.subi %add3A_517, %add3A_515 : i32
    %sub3A_519 = arith.subi %sub3A_518, %mul3A_67 : i32
    %mul3A_520 = arith.constant 128 : i32
    %mul3A_521 = arith.muli %sub3A_519, %mul3A_520 : i32
    %mul3A_522 = arith.constant 4096 : i32
    %mul3A_523 = arith.muli %add3A_515, %mul3A_522 : i32
    %add3A_524 = arith.addi %mul3A_523, %mul3A_32 : i32
    %mul3A_525 = arith.constant 128 : i32
    %mul3A_526 = arith.muli %add3A_524, %mul3A_525 : i32
    %dma_start3A_527 = tpu.memref_slice %arg4[%mul3A_521] : memref<20480xf32, #tpu.memory_space<vmem>> -> memref<16384xf32, #tpu.memory_space<vmem>>
    %dma_start3A_528 = tpu.memref_slice %arg3[%mul3A_526] : memref<16777216xf32, #tpu.memory_space<hbm>> -> memref<16384xf32, #tpu.memory_space<hbm>>
    %dma_start3A_529 = tpu.memref_slice %arg3[%mul3A_526] : memref<16777216xf32, #tpu.memory_space<hbm>> -> memref<16384xf32, #tpu.memory_space<hbm>>
    %dma_start3A_530 = tpu.memref_slice %arg4[%mul3A_521] : memref<20480xf32, #tpu.memory_space<vmem>> -> memref<16384xf32, #tpu.memory_space<vmem>>
    tpu.enqueue_dma source(%dma_start3A_530 : memref<16384xf32, #tpu.memory_space<vmem>>) target(%dma_start3A_529 : memref<16384xf32, #tpu.memory_space<hbm>>) target_semaphore(%arg6 : memref<!tpu.dma_semaphore, #tpu.memory_space<semaphore_mem>>)
    %add3A_531 = arith.constant 27 : i32
    %add3A_532 = arith.addi %mul3A_34, %add3A_531 : i32
    %add3A_533 = arith.constant 4096 : i32
    %add3A_534 = arith.addi %mul3A_32, %add3A_533 : i32
    %sub3A_535 = arith.subi %add3A_534, %add3A_532 : i32
    %sub3A_536 = arith.subi %sub3A_535, %mul3A_67 : i32
    %mul3A_537 = arith.constant 128 : i32
    %mul3A_538 = arith.muli %sub3A_536, %mul3A_537 : i32
    %mul3A_539 = arith.constant 4096 : i32
    %mul3A_540 = arith.muli %add3A_532, %mul3A_539 : i32
    %add3A_541 = arith.addi %mul3A_540, %mul3A_32 : i32
    %mul3A_542 = arith.constant 128 : i32
    %mul3A_543 = arith.muli %add3A_541, %mul3A_542 : i32
    %dma_start3A_544 = tpu.memref_slice %arg4[%mul3A_538] : memref<20480xf32, #tpu.memory_space<vmem>> -> memref<16384xf32, #tpu.memory_space<vmem>>
    %dma_start3A_545 = tpu.memref_slice %arg3[%mul3A_543] : memref<16777216xf32, #tpu.memory_space<hbm>> -> memref<16384xf32, #tpu.memory_space<hbm>>
    %dma_start3A_546 = tpu.memref_slice %arg3[%mul3A_543] : memref<16777216xf32, #tpu.memory_space<hbm>> -> memref<16384xf32, #tpu.memory_space<hbm>>
    %dma_start3A_547 = tpu.memref_slice %arg4[%mul3A_538] : memref<20480xf32, #tpu.memory_space<vmem>> -> memref<16384xf32, #tpu.memory_space<vmem>>
    tpu.enqueue_dma source(%dma_start3A_547 : memref<16384xf32, #tpu.memory_space<vmem>>) target(%dma_start3A_546 : memref<16384xf32, #tpu.memory_space<hbm>>) target_semaphore(%arg6 : memref<!tpu.dma_semaphore, #tpu.memory_space<semaphore_mem>>)
    %add3A_548 = arith.constant 28 : i32
    %add3A_549 = arith.addi %mul3A_34, %add3A_548 : i32
    %add3A_550 = arith.constant 4096 : i32
    %add3A_551 = arith.addi %mul3A_32, %add3A_550 : i32
    %sub3A_552 = arith.subi %add3A_551, %add3A_549 : i32
    %sub3A_553 = arith.subi %sub3A_552, %mul3A_67 : i32
    %mul3A_554 = arith.constant 128 : i32
    %mul3A_555 = arith.muli %sub3A_553, %mul3A_554 : i32
    %mul3A_556 = arith.constant 4096 : i32
    %mul3A_557 = arith.muli %add3A_549, %mul3A_556 : i32
    %add3A_558 = arith.addi %mul3A_557, %mul3A_32 : i32
    %mul3A_559 = arith.constant 128 : i32
    %mul3A_560 = arith.muli %add3A_558, %mul3A_559 : i32
    %dma_start3A_561 = tpu.memref_slice %arg4[%mul3A_555] : memref<20480xf32, #tpu.memory_space<vmem>> -> memref<16384xf32, #tpu.memory_space<vmem>>
    %dma_start3A_562 = tpu.memref_slice %arg3[%mul3A_560] : memref<16777216xf32, #tpu.memory_space<hbm>> -> memref<16384xf32, #tpu.memory_space<hbm>>
    %dma_start3A_563 = tpu.memref_slice %arg3[%mul3A_560] : memref<16777216xf32, #tpu.memory_space<hbm>> -> memref<16384xf32, #tpu.memory_space<hbm>>
    %dma_start3A_564 = tpu.memref_slice %arg4[%mul3A_555] : memref<20480xf32, #tpu.memory_space<vmem>> -> memref<16384xf32, #tpu.memory_space<vmem>>
    tpu.enqueue_dma source(%dma_start3A_564 : memref<16384xf32, #tpu.memory_space<vmem>>) target(%dma_start3A_563 : memref<16384xf32, #tpu.memory_space<hbm>>) target_semaphore(%arg6 : memref<!tpu.dma_semaphore, #tpu.memory_space<semaphore_mem>>)
    %add3A_565 = arith.constant 29 : i32
    %add3A_566 = arith.addi %mul3A_34, %add3A_565 : i32
    %add3A_567 = arith.constant 4096 : i32
    %add3A_568 = arith.addi %mul3A_32, %add3A_567 : i32
    %sub3A_569 = arith.subi %add3A_568, %add3A_566 : i32
    %sub3A_570 = arith.subi %sub3A_569, %mul3A_67 : i32
    %mul3A_571 = arith.constant 128 : i32
    %mul3A_572 = arith.muli %sub3A_570, %mul3A_571 : i32
    %mul3A_573 = arith.constant 4096 : i32
    %mul3A_574 = arith.muli %add3A_566, %mul3A_573 : i32
    %add3A_575 = arith.addi %mul3A_574, %mul3A_32 : i32
    %mul3A_576 = arith.constant 128 : i32
    %mul3A_577 = arith.muli %add3A_575, %mul3A_576 : i32
    %dma_start3A_578 = tpu.memref_slice %arg4[%mul3A_572] : memref<20480xf32, #tpu.memory_space<vmem>> -> memref<16384xf32, #tpu.memory_space<vmem>>
    %dma_start3A_579 = tpu.memref_slice %arg3[%mul3A_577] : memref<16777216xf32, #tpu.memory_space<hbm>> -> memref<16384xf32, #tpu.memory_space<hbm>>
    %dma_start3A_580 = tpu.memref_slice %arg3[%mul3A_577] : memref<16777216xf32, #tpu.memory_space<hbm>> -> memref<16384xf32, #tpu.memory_space<hbm>>
    %dma_start3A_581 = tpu.memref_slice %arg4[%mul3A_572] : memref<20480xf32, #tpu.memory_space<vmem>> -> memref<16384xf32, #tpu.memory_space<vmem>>
    tpu.enqueue_dma source(%dma_start3A_581 : memref<16384xf32, #tpu.memory_space<vmem>>) target(%dma_start3A_580 : memref<16384xf32, #tpu.memory_space<hbm>>) target_semaphore(%arg6 : memref<!tpu.dma_semaphore, #tpu.memory_space<semaphore_mem>>)
    %add3A_582 = arith.constant 30 : i32
    %add3A_583 = arith.addi %mul3A_34, %add3A_582 : i32
    %add3A_584 = arith.constant 4096 : i32
    %add3A_585 = arith.addi %mul3A_32, %add3A_584 : i32
    %sub3A_586 = arith.subi %add3A_585, %add3A_583 : i32
    %sub3A_587 = arith.subi %sub3A_586, %mul3A_67 : i32
    %mul3A_588 = arith.constant 128 : i32
    %mul3A_589 = arith.muli %sub3A_587, %mul3A_588 : i32
    %mul3A_590 = arith.constant 4096 : i32
    %mul3A_591 = arith.muli %add3A_583, %mul3A_590 : i32
    %add3A_592 = arith.addi %mul3A_591, %mul3A_32 : i32
    %mul3A_593 = arith.constant 128 : i32
    %mul3A_594 = arith.muli %add3A_592, %mul3A_593 : i32
    %dma_start3A_595 = tpu.memref_slice %arg4[%mul3A_589] : memref<20480xf32, #tpu.memory_space<vmem>> -> memref<16384xf32, #tpu.memory_space<vmem>>
    %dma_start3A_596 = tpu.memref_slice %arg3[%mul3A_594] : memref<16777216xf32, #tpu.memory_space<hbm>> -> memref<16384xf32, #tpu.memory_space<hbm>>
    %dma_start3A_597 = tpu.memref_slice %arg3[%mul3A_594] : memref<16777216xf32, #tpu.memory_space<hbm>> -> memref<16384xf32, #tpu.memory_space<hbm>>
    %dma_start3A_598 = tpu.memref_slice %arg4[%mul3A_589] : memref<20480xf32, #tpu.memory_space<vmem>> -> memref<16384xf32, #tpu.memory_space<vmem>>
    tpu.enqueue_dma source(%dma_start3A_598 : memref<16384xf32, #tpu.memory_space<vmem>>) target(%dma_start3A_597 : memref<16384xf32, #tpu.memory_space<hbm>>) target_semaphore(%arg6 : memref<!tpu.dma_semaphore, #tpu.memory_space<semaphore_mem>>)
    %add3A_599 = arith.constant 31 : i32
    %add3A_600 = arith.addi %mul3A_34, %add3A_599 : i32
    %add3A_601 = arith.constant 4096 : i32
    %add3A_602 = arith.addi %mul3A_32, %add3A_601 : i32
    %sub3A_603 = arith.subi %add3A_602, %add3A_600 : i32
    %sub3A_604 = arith.subi %sub3A_603, %mul3A_67 : i32
    %mul3A_605 = arith.constant 128 : i32
    %mul3A_606 = arith.muli %sub3A_604, %mul3A_605 : i32
    %mul3A_607 = arith.constant 4096 : i32
    %mul3A_608 = arith.muli %add3A_600, %mul3A_607 : i32
    %add3A_609 = arith.addi %mul3A_608, %mul3A_32 : i32
    %mul3A_610 = arith.constant 128 : i32
    %mul3A_611 = arith.muli %add3A_609, %mul3A_610 : i32
    %dma_start3A_612 = tpu.memref_slice %arg4[%mul3A_606] : memref<20480xf32, #tpu.memory_space<vmem>> -> memref<16384xf32, #tpu.memory_space<vmem>>
    %dma_start3A_613 = tpu.memref_slice %arg3[%mul3A_611] : memref<16777216xf32, #tpu.memory_space<hbm>> -> memref<16384xf32, #tpu.memory_space<hbm>>
    %dma_start3A_614 = tpu.memref_slice %arg3[%mul3A_611] : memref<16777216xf32, #tpu.memory_space<hbm>> -> memref<16384xf32, #tpu.memory_space<hbm>>
    %dma_start3A_615 = tpu.memref_slice %arg4[%mul3A_606] : memref<20480xf32, #tpu.memory_space<vmem>> -> memref<16384xf32, #tpu.memory_space<vmem>>
    tpu.enqueue_dma source(%dma_start3A_615 : memref<16384xf32, #tpu.memory_space<vmem>>) target(%dma_start3A_614 : memref<16384xf32, #tpu.memory_space<hbm>>) target_semaphore(%arg6 : memref<!tpu.dma_semaphore, #tpu.memory_space<semaphore_mem>>)
    %mul3A_616 = arith.constant 32 : i32
    %mul3A_617 = arith.muli %add3A, %mul3A_616 : i32
    %mul3A_618 = arith.constant 128 : i32
    %mul3A_619 = arith.muli %mul3A_617, %mul3A_618 : i32
    %mul3A_620 = arith.constant 128 : i32
    %mul3A_621 = arith.muli %mul3A_619, %mul3A_620 : i32
    %dma_wait3A_622 = tpu.memref_slice %arg3[%mul3A_621] : memref<16777216xf32, #tpu.memory_space<hbm>> -> memref<524288xf32, #tpu.memory_space<hbm>>
    %dma_wait3A_623 = arith.constant 0 : i32
    %dma_wait3A_624 = tpu.memref_slice %arg2[%dma_wait3A_623] : memref<1048576xf32, #tpu.memory_space<hbm>> -> memref<524288xf32, #tpu.memory_space<hbm>>
    tpu.wait_dma2 semaphore(%arg6 : memref<!tpu.dma_semaphore, #tpu.memory_space<semaphore_mem>>) src(%dma_wait3A_624 : memref<524288xf32, #tpu.memory_space<hbm>>) dst(%dma_wait3A_622 : memref<524288xf32, #tpu.memory_space<hbm>>)
    return
  }
}

</mosaic_0001>

<sc_bundles>
// kernel: kernel.3.cloned.1.call-start
scs
__scs_entry_jumppad:
0x0: {  	(pc) =	sbr.rel $0x88, $3  }
0x1: {  	(tag) =	ssettag $0x0;
	lr =	simm.s32 $0x1  }
0x2: {  	[smem:$0x3FA0] =	sst lr;
	_ =	strace $0xD0000000  }
0x3: {  	_ = 	snop  }
0x4: {  	_ = 	snop  }
0x5: {  	_ = 	snop  }
0x6: {  	_ = 	snop  }
0x7: {  	_ = 	snop  }
__scs_overlays_trampoline_lowered:
0x8: {  	[smem:$0x3FAF] =	sst s0  }
0x9: {  	[smem:$0x3FB0] =	sst s1  }
0xa: {  	[smem:$0x3FB1] =	sst s2  }
0xb: {  	[smem:$0x3FB2] =	sst s3  }
0xc: {  	[smem:$0x3FB3] =	sst s4  }
0xd: {  	[smem:$0x3FB4] =	sst s5  }
0xe: {  	[smem:$0x3FB5] =	sst s6  }
0xf: {  	[smem:$0x3FB6] =	sst s7  }
0x10: {  	[smem:$0x3FB7] =	sst s8  }
0x11: {  	[smem:$0x3FB8] =	sst s9;
	s0 =	simm.s32 @!p0 $0x0  }
0x12: {  	s1 =	sld [smem:$0x3F9E];
	s0 =	simm.s32 @p0 $0x1  }
0x13: {  	[smem:$0x3FB9] =	sst s0;
	s0 =	simm.s32 @!p1 $0x0  }
0x14: {  	s2 =	sld [smem:$0x3F9D];
	s0 =	simm.s32 @p1 $0x1  }
0x15: {  	[smem:$0x3FBA] =	sst s0;
	s0 =	simm.s32 @!p2 $0x0  }
0x16: {  	s3 =	sld [smem:$0x3FDB];
	s0 =	simm.s32 @p2 $0x1  }
0x17: {  	s4 =	simm.s32 $0x1BF5;
	[smem:$0x3FBC] =	sst s0  }
0x18: {  	s0 =	sld [smem:$0x3F9F];
	_ =	swait.ge [sflag:s4], $0x0  }
0x19: {  	s7 =	sld [smem:$0x3FA0]  }
0x1a: {  	s8 =	sadd.s32 $0xFFFFE003, lr  }
0x1b: {  	s9 =	sadd.s32 $0xFFFFFEF7, lr;
	s5 =	simm.s32 $0xFFFFFFFF;
	p2 =	slt.u32 s8, $0xFFFFF086  }
0x1c: {  	p1 =	slt.u32 s9, $0xF7A;
	s5 =	simm.s32 @!p2 $0x0  }
0x1d: {  	s5 =	simm.s32 @p1 $0x1;
	p0 =	seq.s32 s7, s2  }
0x1e: {  	s7 =	smul.u32 @!p0 $0xF7A, s2;
	p2 =	seq.s32 @!p0 s5, $0x0  }
0x1f: {  	s9 =	smul.u32 $0xF7A, s1;
	s8 =	simm.s32 @!p0 $0x1BF5;
	p2 =	por !p2, p0  }
0x20: {  	[sflag:s8] =	ssyncset.s32 @!p0 $0xFFFFF086;
	s6 =	sadd.s32 @!p0 s3, s7;
	s7 =	simm.s32 @!p0 $0x108  }
0x21: {  	s3 =	sadd.s32 s3, s9;
	s6 =	sadd.s32 @!p0 $0x88, s6;
	s7 =	simm.s32 @p2 $0x1082  }
0x22: {  	[simem:s7], [sflag:s8] =	dma.local @!p0 [hbm:s6], $0xF7A  }
0x23: {  	s9 =	sor.u32 $0xD0000000, s2;
	s6 =	simm.s32 $0x108;
	_ =	swait.ge @!p0 [sflag:s8], $0x0  }
0x24: {  	s3 =	sadd.s32 $0x88, s3;
	s6 =	simm.s32 @!p1 $0x1082;
	[sflag:s4] =	ssyncset.s32 $0xFFFFF086  }
0x25: {  	[simem:s6], [sflag:s4] =	dma.local [hbm:s3], $0xF7A  }
0x26: {  	[smem:$0x3FA0] =	sst s1;
	(tag) =	ssettag s2;
	_ =	strace s9  }
0x27: {  	s1 =	sld [smem:$0x3FB0]  }
0x28: {  	s2 =	sld [smem:$0x3FB1]  }
0x29: {  	s4 =	sld [smem:$0x3FB3]  }
0x2a: {  	p0 =	seq.s32 s5, $0x0;
	s5 =	sld [smem:$0x3FB4]  }
0x2b: {  	s6 =	sld [smem:$0x3FB5]  }
0x2c: {  	s7 =	sld [smem:$0x3FB6]  }
0x2d: {  	s3 =	simm.s32 $0x108;
	s8 =	sld [smem:$0x3FB7]  }
0x2e: {  	s3 =	simm.s32 @!p0 $0x1082;
	s9 =	sld [smem:$0x3FB8]  }
0x2f: {  	lr =	sadd.s32 s0, s3;
	s0 =	sld [smem:$0x3FAF]  }
0x30: {  	s3 =	sld [smem:$0x3FB2]  }
0x31: {  	[smem:$0x3FBB] =	sst s10  }
0x32: {  	s10 =	sld [smem:$0x3FB9];
	_ =	sdelay $0x3  }
0x33: {  	p0 =	seq.s32 s10, $0x1;
	s10 =	sld [smem:$0x3FBB];
	_ =	sdelay $0x3  }
0x34: {  	[smem:$0x3FBB] =	sst s10  }
0x35: {  	s10 =	sld [smem:$0x3FBA];
	_ =	sdelay $0x3  }
0x36: {  	p1 =	seq.s32 s10, $0x1;
	s10 =	sld [smem:$0x3FBB];
	_ =	sdelay $0x3  }
0x37: {  	[smem:$0x3FBB] =	sst s10  }
0x38: {  	s10 =	sld [smem:$0x3FBC]  }
0x39: {  	_ = 	snop;
	(pc) =	sbr.ind lr, $3  }
0x3a: {  	_ = 	snop  }
0x3b: {  	_ = 	snop  }
0x3c: {  	p2 =	seq.s32 s10, $0x1;
	s10 =	sld [smem:$0x3FBB]  }
0x3d: {  	_ =	shalt  }
0x3e: {  	_ =	shalt  }
0x3f: {  	_ =	shalt  }
0x40: {  	_ =	shalt  }
0x41: {  	_ =	shalt  }
0x42: {  	_ =	shalt  }
0x43: {  	_ =	shalt  }
0x44: {  	_ =	shalt  }
0x45: {  	_ =	shalt  }
0x46: {  	_ =	shalt  }
0x47: {  	_ =	shalt  }
0x48: {  	_ =	shalt  }
0x49: {  	_ =	shalt  }
0x4a: {  	_ =	shalt  }
0x4b: {  	_ =	shalt  }
0x4c: {  	_ =	shalt  }
0x4d: {  	_ =	shalt  }
0x4e: {  	_ =	shalt  }
0x4f: {  	_ =	shalt  }
0x50: {  	_ =	shalt  }
0x51: {  	_ =	shalt  }
0x52: {  	_ =	shalt  }
0x53: {  	_ =	shalt  }
0x54: {  	_ =	shalt  }
0x55: {  	_ =	shalt  }
0x56: {  	_ =	shalt  }
0x57: {  	_ =	shalt  }
0x58: {  	_ =	shalt  }
0x59: {  	_ =	shalt  }
0x5a: {  	_ =	shalt  }
0x5b: {  	_ =	shalt  }
0x5c: {  	_ =	shalt  }
0x5d: {  	_ =	shalt  }
0x5e: {  	_ =	shalt  }
0x5f: {  	_ =	shalt  }
0x60: {  	_ =	shalt  }
0x61: {  	_ =	shalt  }
0x62: {  	_ =	shalt  }
0x63: {  	_ =	shalt  }
0x64: {  	_ =	shalt  }
0x65: {  	_ =	shalt  }
0x66: {  	_ =	shalt  }
0x67: {  	_ =	shalt  }
0x68: {  	_ =	shalt  }
0x69: {  	_ =	shalt  }
0x6a: {  	_ =	shalt  }
0x6b: {  	_ =	shalt  }
0x6c: {  	_ =	shalt  }
0x6d: {  	_ =	shalt  }
0x6e: {  	_ =	shalt  }
0x6f: {  	_ =	shalt  }
0x70: {  	_ =	shalt  }
0x71: {  	_ =	shalt  }
0x72: {  	_ =	shalt  }
0x73: {  	_ =	shalt  }
0x74: {  	_ =	shalt  }
0x75: {  	_ =	shalt  }
0x76: {  	_ =	shalt  }
0x77: {  	_ =	shalt  }
0x78: {  	_ =	shalt  }
0x79: {  	_ =	shalt  }
0x7a: {  	_ =	shalt  }
0x7b: {  	_ =	shalt  }
0x7c: {  	_ =	shalt  }
0x7d: {  	_ =	shalt  }
0x7e: {  	_ =	shalt  }
0x7f: {  	_ =	shalt  }
0x80: {  	_ =	shalt  }
0x81: {  	_ =	shalt  }
0x82: {  	_ =	shalt  }
0x83: {  	_ =	shalt  }
0x84: {  	_ =	shalt  }
0x85: {  	_ =	shalt  }
0x86: {  	_ =	shalt  }
0x87: {  	_ =	shalt  }
.Lfunc_end0:
.L_simem_size_0:
called_computation_lowered:
.L_overlay_start_0:
0x88: {  	s2 =	sld [smem:$0x3FD9]  }
0x89: {  	s3 =	sld [smem:$0x3FFE];
	_ =	sdelay $0x1  }
0x8a: {  	s1 =	srdreg.scid  }
0x8b: {  	s0 =	sand.u32 $0x1, s1  }
0x8c: {  	s18 =	sshll.u32 s0, $0xA;
	s2 =	sadd.s32 s3, s2  }
0x8d: {  	s2 =	sadd.s32 s2, s18  }
0x8e: {  	[smem:$0x3FC7] =	sst s2  }
0x8f: {  	_ = 	snop  }
0x90: {  	s2 =	sld [smem:$0x3FC9]  }
0x91: {  	s19 =	sld [smem:$0x3FD0];
	(tm) =	ssettm $0x1  }
0x92: {  	s4 =	sld [smem:$0x3FFB];
	_ =	sdelay $0x3  }
0x93: {  	_ =	strace s4  }
0x94: {  	s4 =	sld [smem:$0x3FFC];
	_ =	sdelay $0x3  }
0x95: {  	_ =	strace s4  }
0x96: {  	s4 =	sld [smem:$0x3FFD];
	_ =	sdelay $0x3  }
0x97: {  	_ =	strace s4  }
0x98: {  	_ =	strace $0x8FFFFFFF  }
0x99: {  	s20 =	sld [smem:$0x3FDB];
	_ =	sdelay $0x1  }
0x9a: {  	s5 =	simm.s32 $_scs_section_size  }
0x9b: {  	s6 =	simm.s32 $_size__tile_overlayer_lowered;
	s7 =	simm.s32 $_tile_overlayer_lowered  }
0x9c: {  	s23 =	simm.s32 $0x1BFF;
	s22 =	sshll.u32 s7, $0x1;
	s4 =	sadd.s32 s5, s20  }
0x9d: {  	s8 =	simm.s32 $0x0;
	s21 =	sshll.u32 s6, $0x1;
	s6 =	sadd.s32 s22, s4  }
0x9e: {  	[timem:s8], [sflag:s23] =	dma.local [hbm:s6], s21  }
0x9f: {  	_ =	swait.ge [sflag:s23], s21  }
0xa0: {  	s5 =	ssub.s32 $0x0, s21;
	[sflag:s23] =	ssyncset.done $0x0  }
0xa1: {  	[sflag:s23] =	ssyncadd.s32 s5;
	_ =	sdelay $0x1  }
0xa2: {  	s24 =	simm.s32 $0x1B8B  }
0xa3: {  	_ =	swait.ge [sflag:s24], $0x1  }
0xa4: {  	[sflag:s24] =	ssyncset.done $0x0  }
0xa5: {  	s25 =	simm.s32 $0x1B8E;
	[sflag:s24] =	ssyncadd.s32 $0xFFFFFFFF  }
0xa6: {  	s26 =	simm.s32 $execute0_lowered;
	[smem:$0x3FD2] =	sst s25  }
0xa7: {  	s5 =	sshll.u32 s26, $0x1;
	_ =	strace $0x80000046;
	[dreg:$0x1] =	wrdreg $0xFFFFFFFF  }
0xa8: {  	s28 =	simm.s32 $_size_execute0_lowered;
	s4 =	sadd.s32 s4, s5;
	[dreg:$0x0] =	wrdreg $0x0  }
0xa9: {  	s5 =	sshll.u32 s28, $0x1;
	[dreg:$0x2] =	wrdreg s4  }
0xaa: {  	[dreg:$0x3] =	wrdreg s5  }
0xab: {  	[dreg:$0x4] =	wrdreg $0xC0  }
0xac: {  	_ =	task [dreg:s8], $0x5FFFF  }
0xad: {  	[dreg:$0x1] =	wrdreg $0xFFFFFFFF  }
0xae: {  	[dreg:$0x0] =	wrdreg $0x60  }
0xaf: {  	[dreg:$0x2] =	wrdreg s2  }
0xb0: {  	[dreg:$0x3] =	wrdreg s19  }
0xb1: {  	[dreg:$0x4] =	wrdreg $0x9  }
0xb2: {  	_ =	task.clear_ibuf [dreg:s8], $0x5FFFF;
	_ =	strace $0x90000046  }
0xb3: {  	s29 =	simm.s32 $0x9;
	_ =	strace $0x80000048  }
0xb4: {  	_ =	swait.ge [sflag:s29], $0x1  }
0xb5: {  	[sflag:s29] =	ssyncadd.s32 $0xFFFFFFFF  }
0xb6: {  	_ =	strace $0x90000048  }
0xb7: {  	_ =	sfence  }
0xb8: {  	s30 =	sld [smem:$0x0];
	_ =	sdelay $0x2  }
0xb9: {  	s31 =	sshll.u32 s1, $0xD;
	s1 =	sshrl.u32 s1, $0x2  }
0xba: {  	s3 =	sand.u32 $0x4000, s31;
	s1 =	sadd.s32 s1, s30  }
0xbb: {  	s0 =	sor.u32 s3, s0;
	s1 =	sshll.u32 s1, $0x11  }
0xbc: {  	s0 =	sor.u32 s1, s0  }
0xbd: {  	s0 =	sadd.s32 $0x8F2B, s0  }
0xbe: {  	[sflag:s0] =	ssyncadd.remote.s32 $0x1  }
0xbf: {  	_ =	sfence.sel $0xFFFF  }
0xc0: {  	[dreg:$0x0] =	wrdreg $0xFFFFFFFF;
	(pc) =	sbr.abs _section_cstart, $3  }
0xc1: {  	[dreg:$0x1] =	wrdreg $0xFFFFFFFF  }
0xc2: {  	_ =	task.clear_ibuf [dreg:s8], $0x2FFFF;
	_ =	strace $0x9FFFFFFF  }
0xc3: {  	(tm) =	ssettm $0x7FFFFFFF  }
tec
execute0_lowered:
.L_overlay_start_1:
0x0: {  	(tag) =	ssettag $0x1  }
0x1: {  	s0 =	srdreg.scid  }
0x2: {  	s2 =	stileid.u32;
	s1 =	sand.u32 $0x1, s0  }
0x3: {  	s23 =	rddreg [dreg:$0x0];
	s2 =	sshll.u32 s2, $0x8;
	s3 =	sshll.u32 s1, $0x7  }
0x4: {  	s4 =	rddreg [dreg:$0x1];
	s3 =	sor.u32 s3, s2;
	s2 =	simm.s32 $0x0  }
0x5: {  	s12 =	sadd.s32 $0xFE1, s3;
	[smem:$0x7FF] =	sst s2  }
0x6: {  	s14 =	sor.u32 $0x1000, s3;
	s25 =	sshll.u32 s3, $0x4;
	s5 =	sshll.u32 s12, $0x4  }
0x7: {  	_ =	strace $0x80000047;
	s6 =	sand.u32 $0x1FE0, s12;
	s5 =	sand.u32 $0x1FE00, s5  }
0x8: {  	s15 =	sor.u32 $0x5, s12;
	s0 =	sadd.s32 s23, s5;
	s23 =	sadd.s32 s4, s25  }
0x9: {  	s24 =	ssub.s32 s14, s6;
	[dreg:$0x3] =	wrdreg s0;
	s31 =	sadd.s32 $0x10000, s23  }
0xa: {  	s7 =	sxor.u32 $0xFFFFFFFF, s6;
	s5 =	sadd.s32 $0x20000, s23;
	[dreg:$0x5] =	wrdreg s31  }
0xb: {  	s3 =	ssub.s32 s3, s6;
	s9 =	sadd.s32 $0x30000, s23;
	[dreg:$0x7] =	wrdreg s5  }
0xc: {  	s26 =	sadd.s32 s7, s14;
	s11 =	sadd.s32 $0x40000, s23;
	[dreg:$0x9] =	wrdreg s9  }
0xd: {  	s25 =	sshll.u32 s3, $0x9;
	s18 =	sadd.s32 $0x50000, s23;
	[dreg:$0xb] =	wrdreg s11  }
0xe: {  	s0 =	sshll.u32 s24, $0x9;
	s20 =	sadd.s32 $0x60000, s23;
	[dreg:$0xd] =	wrdreg s18  }
0xf: {  	s4 =	sshll.u32 s26, $0x9;
	s0 =	sshra.s32 s0, $0x2;
	[dreg:$0xf] =	wrdreg s20  }
0x10: {  	s3 =	sadd.s32 $0x1FFC00, s25;
	s4 =	sshra.s32 s4, $0x2;
	[dreg:$0x4] =	wrdreg s0  }
0x11: {  	s13 =	sadd.s32 $0x1FF800, s25;
	s7 =	sshra.s32 s3, $0x2;
	[dreg:$0x6] =	wrdreg s4  }
0x12: {  	s21 =	sadd.s32 $0x1FF400, s25;
	s16 =	sshra.s32 s13, $0x2;
	[dreg:$0x8] =	wrdreg s7  }
0x13: {  	s22 =	sor.u32 $0x7, s12;
	s24 =	sshra.s32 s21, $0x2;
	[dreg:$0xc] =	wrdreg s16  }
0x14: {  	s6 =	sor.u32 $0x3, s12;
	s31 =	sadd.s32 $0x70000, s23;
	[dreg:$0x10] =	wrdreg s24  }
0x15: {  	s17 =	ssub.s32 s14, s15;
	s9 =	sadd.s32 $0x90000, s23;
	[dreg:$0x11] =	wrdreg s31  }
0x16: {  	s15 =	sor.u32 $0xB, s12;
	s11 =	sadd.s32 $0xA0000, s23;
	[dreg:$0x15] =	wrdreg s9  }
0x17: {  	s8 =	ssub.s32 s14, s6;
	s18 =	sadd.s32 $0xB0000, s23;
	[dreg:$0x17] =	wrdreg s11  }
0x18: {  	s3 =	sshll.u32 s8, $0x9;
	s20 =	sadd.s32 $0xC0000, s23;
	[dreg:$0x19] =	wrdreg s18  }
0x19: {  	s6 =	sor.u32 $0x9, s12;
	s10 =	sshra.s32 s3, $0x2;
	[dreg:$0x1b] =	wrdreg s20  }
0x1a: {  	s5 =	sadd.s32 $0x1FF000, s25;
	s4 =	sadd.s32 $0x80000, s23;
	[dreg:$0xa] =	wrdreg s10  }
0x1b: {  	s13 =	sadd.s32 $0x1FEC00, s25;
	s7 =	sshra.s32 s5, $0x2;
	[dreg:$0x13] =	wrdreg s4  }
0x1c: {  	s21 =	sadd.s32 $0x1FE800, s25;
	s16 =	sshra.s32 s13, $0x2;
	[dreg:$0x14] =	wrdreg s7  }
0x1d: {  	s26 =	ssub.s32 s14, s22;
	s24 =	sshra.s32 s21, $0x2;
	[dreg:$0x18] =	wrdreg s16  }
0x1e: {  	s22 =	sor.u32 $0xD, s12;
	s31 =	sadd.s32 $0xD0000, s23;
	[dreg:$0x1c] =	wrdreg s24  }
0x1f: {  	s8 =	ssub.s32 s14, s6;
	s5 =	sadd.s32 $0xE0000, s23;
	[dreg:$0x1d] =	wrdreg s31  }
0x20: {  	s6 =	sadd.s32 $0x1FE400, s25;
	s13 =	sadd.s32 $0x100000, s23;
	[dreg:$0x1f] =	wrdreg s5  }
0x21: {  	s3 =	sshll.u32 s17, $0x9;
	s21 =	sadd.s32 $0x120000, s23;
	[smem:$0x7E9] =	sst s13  }
0x22: {  	s17 =	ssub.s32 s14, s15;
	s19 =	sshra.s32 s3, $0x2;
	[smem:$0x7EE] =	sst s21  }
0x23: {  	s3 =	sshll.u32 s26, $0x9;
	s26 =	ssub.s32 s14, s22;
	s24 =	rddreg [dreg:$0x3]  }
0x24: {  	s22 =	sadd.s32 $0x1FDC00, s25;
	[dreg:$0xe] =	wrdreg s19;
	s3 =	sshra.s32 s3, $0x2  }
0x25: {  	[tilespmem:s2], [sflag:$0x1] =	stream.linear.gather [hbm4b:s24+s2], $0x5000, $0x38;
	[tilespmem:$0x5000] =	vst v63  }
0x26: {  	s15 =	sadd.s32 $0x1FE000, s25;
	s0 =	sshra.s32 s22, $0x2;
	[dreg:$0x12] =	wrdreg s3  }
0x27: {  	s3 =	sshll.u32 s8, $0x9;
	s8 =	sshra.s32 s6, $0x2;
	[smem:$0x7E3] =	sst s0  }
0x28: {  	s7 =	sor.u32 $0xF, s12;
	s10 =	sshra.s32 s3, $0x2;
	[smem:$0x7E6] =	sst s8  }
0x29: {  	s3 =	sshll.u32 s17, $0x9;
	s17 =	sshra.s32 s15, $0x2;
	[dreg:$0x16] =	wrdreg s10  }
0x2a: {  	s16 =	sor.u32 $0x11, s12;
	s19 =	sshra.s32 s3, $0x2;
	[smem:$0x7E4] =	sst s17  }
0x2b: {  	s9 =	ssub.s32 s14, s7;
	s10 =	sadd.s32 $0xF0000, s23;
	[dreg:$0x1a] =	wrdreg s19  }
0x2c: {  	s3 =	sshll.u32 s26, $0x9;
	s26 =	sadd.s32 $0x130000, s23;
	[smem:$0x7E7] =	sst s10  }
0x2d: {  	s18 =	ssub.s32 s14, s16;
	s4 =	sshra.s32 s3, $0x2;
	[smem:$0x7F0] =	sst s26  }
0x2e: {  	s3 =	sshll.u32 s9, $0x9;
	s19 =	sadd.s32 $0x110000, s23;
	[dreg:$0x1e] =	wrdreg s4  }
0x2f: {  	s11 =	sshra.s32 s3, $0x2;
	s3 =	sshll.u32 s18, $0x9;
	[smem:$0x7EC] =	sst s19  }
0x30: {  	[smem:$0x7E5] =	sst s11;
	s20 =	sshra.s32 s3, $0x2  }
0x31: {  	s31 =	simm.s32 $0x1;
	[smem:$0x7EA] =	sst s20  }
0x32: {  	_ =	swait.ge [sflag:s31], $0x5000  }
0x33: {  	s0 =	sld [smem:$0x7E3]  }
0x34: {  	s3 =	sld [smem:$0x7E4]  }
0x35: {  	s5 =	sld [smem:$0x7E5]  }
0x36: {  	s6 =	sld [smem:$0x7E6]  }
0x37: {  	s7 =	rddreg [dreg:$0x1e]  }
0x38: {  	s8 =	rddreg [dreg:$0x1c]  }
0x39: {  	s9 =	rddreg [dreg:$0x1a]  }
0x3a: {  	s10 =	rddreg [dreg:$0x18]  }
0x3b: {  	s11 =	rddreg [dreg:$0x16]  }
0x3c: {  	s13 =	rddreg [dreg:$0x14]  }
0x3d: {  	s15 =	rddreg [dreg:$0x12]  }
0x3e: {  	s16 =	rddreg [dreg:$0x10]  }
0x3f: {  	s17 =	rddreg [dreg:$0xe]  }
0x40: {  	s19 =	rddreg [dreg:$0x5]  }
0x41: {  	s20 =	rddreg [dreg:$0x4]  }
0x42: {  	s21 =	rddreg [dreg:$0x6]  }
0x43: {  	s22 =	rddreg [dreg:$0x8]  }
0x44: {  	s18 =	rddreg [dreg:$0x7]  }
0x45: {  	[sflag:s31] =	ssyncset.done $0x0;
	s24 =	rddreg [dreg:$0x9]  }
0x46: {  	s26 =	rddreg [dreg:$0xc];
	[sflag:s31] =	ssyncadd.s32 $0xFFFFB000  }
0x47: {  	[hbm4b:s23+s2] =	stream.linear.scatter [tilespmem:s20], [sflag:$0x2], $0x4000, $0x38;
	[tilespmem:$0x5000] =	vst v63  }
0x48: {  	s31 =	rddreg [dreg:$0xb]  }
0x49: {  	[hbm4b:s19+s2] =	stream.linear.scatter [tilespmem:s21], [sflag:$0x2], $0x4000, $0x38;
	[tilespmem:$0x5000] =	vst v63  }
0x4a: {  	s4 =	sor.u32 $0x13, s12;
	s21 =	rddreg [dreg:$0xa]  }
0x4b: {  	s19 =	ssub.s32 s14, s4;
	s4 =	rddreg [dreg:$0x11]  }
0x4c: {  	[hbm4b:s18+s2] =	stream.linear.scatter [tilespmem:s22], [sflag:$0x2], $0x4000, $0x38;
	[tilespmem:$0x5000] =	vst v63  }
0x4d: {  	s18 =	rddreg [dreg:$0xd]  }
0x4e: {  	[hbm4b:s24+s2] =	stream.linear.scatter [tilespmem:s21], [sflag:$0x2], $0x4000, $0x38;
	[tilespmem:$0x5000] =	vst v63  }
0x4f: {  	s22 =	rddreg [dreg:$0x15];
	s21 =	sadd.s32 $0x140000, s23  }
0x50: {  	[smem:$0x7F5] =	sst s21  }
0x51: {  	[hbm4b:s31+s2] =	stream.linear.scatter [tilespmem:s26], [sflag:$0x2], $0x4000, $0x38;
	[tilespmem:$0x5000] =	vst v63  }
0x52: {  	s26 =	rddreg [dreg:$0xf];
	s31 =	sshll.u32 s19, $0x9  }
0x53: {  	[hbm4b:s18+s2] =	stream.linear.scatter [tilespmem:s17], [sflag:$0x2], $0x4000, $0x38;
	[tilespmem:$0x5000] =	vst v63  }
0x54: {  	s20 =	sshra.s32 s31, $0x2;
	s17 =	rddreg [dreg:$0x13]  }
0x55: {  	[smem:$0x7F3] =	sst s20  }
0x56: {  	[hbm4b:s26+s2] =	stream.linear.scatter [tilespmem:s16], [sflag:$0x2], $0x4000, $0x38;
	[tilespmem:$0x5000] =	vst v63  }
0x57: {  	s18 =	sadd.s32 $0x1FD800, s25;
	s26 =	rddreg [dreg:$0x17]  }
0x58: {  	s1 =	ssub.s32 $0x2, s1;
	s16 =	sshra.s32 s18, $0x2;
	s18 =	rddreg [dreg:$0x1b]  }
0x59: {  	s24 =	sshrl.u32 s1, $0x1;
	s19 =	sor.u32 $0x15, s12;
	[smem:$0x7F6] =	sst s16  }
0x5a: {  	[hbm4b:s4+s2] =	stream.linear.scatter [tilespmem:s15], [sflag:$0x2], $0x4000, $0x38;
	[tilespmem:$0x5000] =	vst v63  }
0x5b: {  	s1 =	ssub.s32 s1, s24;
	s24 =	ssub.s32 s14, s19;
	s4 =	rddreg [dreg:$0x19]  }
0x5c: {  	[hbm4b:s17+s2] =	stream.linear.scatter [tilespmem:s13], [sflag:$0x2], $0x4000, $0x38;
	[tilespmem:$0x5000] =	vst v63  }
0x5d: {  	s31 =	sshll.u32 s24, $0x9;
	s15 =	sld [smem:$0x7E7];
	s17 =	sadd.s32 $0x150000, s23  }
0x5e: {  	[hbm4b:s22+s2] =	stream.linear.scatter [tilespmem:s11], [sflag:$0x2], $0x4000, $0x38;
	[tilespmem:$0x5000] =	vst v63  }
0x5f: {  	[smem:$0x7F9] =	sst s17;
	s11 =	sshra.s32 s31, $0x2  }
0x60: {  	[smem:$0x7FA] =	sst s11  }
0x61: {  	[hbm4b:s26+s2] =	stream.linear.scatter [tilespmem:s10], [sflag:$0x2], $0x4000, $0x38;
	[tilespmem:$0x5000] =	vst v63  }
0x62: {  	s28 =	sadd.s32 $0x1D0000, s23;
	s22 =	sadd.s32 $0x1FD400, s25;
	s26 =	rddreg [dreg:$0x1d]  }
0x63: {  	s24 =	sor.u32 $0x17, s12;
	s10 =	sshra.s32 s22, $0x2;
	s22 =	sld [smem:$0x7E9]  }
0x64: {  	[hbm4b:s4+s2] =	stream.linear.scatter [tilespmem:s9], [sflag:$0x2], $0x4000, $0x38;
	[tilespmem:$0x5000] =	vst v63  }
0x65: {  	s29 =	sadd.s32 $0x1E0000, s23;
	s31 =	ssub.s32 s14, s24;
	s4 =	rddreg [dreg:$0x1f]  }
0x66: {  	[hbm4b:s18+s2] =	stream.linear.scatter [tilespmem:s8], [sflag:$0x2], $0x4000, $0x38;
	[tilespmem:$0x5000] =	vst v63  }
0x67: {  	s8 =	sshll.u32 s31, $0x9;
	s18 =	sadd.s32 $0x180000, s23;
	s31 =	sld [smem:$0x7EA]  }
0x68: {  	s30 =	sadd.s32 $0x1F0000, s23;
	s1 =	smax.u32 s1, $0x1;
	[smem:$0x7E8] =	sst s18  }
0x69: {  	[hbm4b:s26+s2] =	stream.linear.scatter [tilespmem:s7], [sflag:$0x2], $0x4000, $0x38;
	[tilespmem:$0x5000] =	vst v63  }
0x6a: {  	s19 =	sadd.s32 $0x160000, s23;
	p0 =	sne.s32 s1, $0x1;
	s18 =	sld [smem:$0x7EC]  }
0x6b: {  	[hbm4b:s4+s2] =	stream.linear.scatter [tilespmem:s6], [sflag:$0x2], $0x4000, $0x38;
	[tilespmem:$0x5000] =	vst v63  }
0x6c: {  	s24 =	sadd.s32 $0x1FD000, s25;
	s26 =	sor.u32 $0x19, s12;
	s4 =	sld [smem:$0x7F0]  }
0x6d: {  	[hbm4b:s15+s2] =	stream.linear.scatter [tilespmem:s5], [sflag:$0x2], $0x4000, $0x38;
	[tilespmem:$0x5000] =	vst v63  }
0x6e: {  	s5 =	sshra.s32 s24, $0x2;
	s15 =	ssub.s32 s14, s26;
	s26 =	sld [smem:$0x7EE]  }
0x6f: {  	s9 =	sshra.s32 s8, $0x2;
	[smem:$0x7EB] =	sst s5;
	s5 =	sadd.s32 $0x1A0000, s23  }
0x70: {  	[hbm4b:s22+s2] =	stream.linear.scatter [tilespmem:s3], [sflag:$0x2], $0x4000, $0x38;
	[tilespmem:$0x5000] =	vst v63  }
0x71: {  	s24 =	sshll.u32 s15, $0x9;
	s15 =	sadd.s32 $0x1B0000, s23;
	[smem:$0x7F1] =	sst s5  }
0x72: {  	s8 =	sor.u32 $0x1B, s12;
	s22 =	sadd.s32 $0x190000, s23;
	[smem:$0x7F4] =	sst s15  }
0x73: {  	[hbm4b:s18+s2] =	stream.linear.scatter [tilespmem:s31], [sflag:$0x2], $0x4000, $0x38;
	[tilespmem:$0x5000] =	vst v63  }
0x74: {  	s3 =	sshra.s32 s24, $0x2;
	[smem:$0x7ED] =	sst s22;
	s31 =	sadd.s32 $0x1FCC00, s25  }
0x75: {  	[smem:$0x7EF] =	sst s3;
	s18 =	sor.u32 $0x1D, s12;
	s7 =	sshra.s32 s31, $0x2  }
0x76: {  	[hbm4b:s26+s2] =	stream.linear.scatter [tilespmem:s0], [sflag:$0x2], $0x4000, $0x38;
	[tilespmem:$0x5000] =	vst v63  }
0x77: {  	s3 =	ssub.s32 s14, s18;
	s31 =	sadd.s32 $0x1C0000, s23;
	s0 =	ssub.s32 s14, s8  }
0x78: {  	[smem:$0x7F2] =	sst s7;
	s24 =	sshll.u32 s3, $0x9;
	s0 =	sshll.u32 s0, $0x9  }
0x79: {  	[hbm4b:s4+s2] =	stream.linear.scatter [tilespmem:s20], [sflag:$0x2], $0x4000, $0x38;
	[tilespmem:$0x5000] =	vst v63  }
0x7a: {  	[smem:$0x7FD] =	sst s31;
	s20 =	sadd.s32 $0x1FC800, s25;
	s0 =	sshra.s32 s0, $0x2  }
0x7b: {  	[hbm4b:s21+s2] =	stream.linear.scatter [tilespmem:s16], [sflag:$0x2], $0x4000, $0x38;
	[tilespmem:$0x5000] =	vst v63  }
0x7c: {  	s26 =	sadd.s32 $0x1FC400, s25;
	[smem:$0x7F7] =	sst s0;
	s22 =	sshra.s32 s20, $0x2  }
0x7d: {  	[hbm4b:s17+s2] =	stream.linear.scatter [tilespmem:s11], [sflag:$0x2], $0x4000, $0x38;
	[tilespmem:$0x5000] =	vst v63  }
.Ltmp0:
0x7e: {  	s0 =	sshra.s32 s24, $0x2;
	[smem:$0x7F8] =	sst s22;
	(pc) =	sbr.rel @!p0 .LBB2_3-.Ltmp0, $4  }
0x7f: {  	s1 =	sadd.s32 $0xFFFFFFFF, s1;
	[smem:$0x7FB] =	sst s0;
	s0 =	sshra.s32 s26, $0x2  }
0x80: {  	[hbm4b:s19+s2] =	stream.linear.scatter [tilespmem:s10], [sflag:$0x2], $0x4000, $0x38;
	[tilespmem:$0x5000] =	vst v63  }
0x81: {  	s13 =	sadd.s32 $0x170000, s23;
	s25 =	simm.s32 $0x2;
	[smem:$0x7FC] =	sst s0  }
0x82: {  	[hbm4b:s13+s2] =	stream.linear.scatter [tilespmem:s9], [sflag:$0x2], $0x4000, $0x38;
	[tilespmem:$0x5000] =	vst v63  }
0x83: {  	s4 =	smov.u32 s19;
	s24 =	smov.u32 s10  }
0x84: {  	s18 =	smov.u32 s13;
	s26 =	smov.u32 s9;
	s14 =	smov.u32 s23  }
.LBB2_2:
0x85: {  	s0 =	sld [smem:$0x7E8]  }
0x86: {  	s3 =	sld [smem:$0x7EB]  }
0x87: {  	s6 =	sld [smem:$0x7ED]  }
0x88: {  	s7 =	sld [smem:$0x7EF]  }
0x89: {  	s8 =	sld [smem:$0x7F1]  }
0x8a: {  	s9 =	sld [smem:$0x7F2]  }
0x8b: {  	s10 =	sld [smem:$0x7F4]  }
0x8c: {  	[hbm4b:s0+s2] =	stream.linear.scatter [tilespmem:s3], [sflag:$0x2], $0x4000, $0x38;
	[tilespmem:$0x5000] =	vst v63  }
0x8d: {  	s11 =	sld [smem:$0x7F7]  }
0x8e: {  	[hbm4b:s6+s2] =	stream.linear.scatter [tilespmem:s7], [sflag:$0x2], $0x4000, $0x38;
	[tilespmem:$0x5000] =	vst v63  }
0x8f: {  	s12 =	sld [smem:$0x7F8]  }
0x90: {  	[hbm4b:s8+s2] =	stream.linear.scatter [tilespmem:s9], [sflag:$0x2], $0x4000, $0x38;
	[tilespmem:$0x5000] =	vst v63  }
0x91: {  	s13 =	sld [smem:$0x7FD]  }
0x92: {  	[hbm4b:s10+s2] =	stream.linear.scatter [tilespmem:s11], [sflag:$0x2], $0x4000, $0x38;
	[tilespmem:$0x5000] =	vst v63  }
0x93: {  	s15 =	sld [smem:$0x7FB]  }
0x94: {  	[hbm4b:s13+s2] =	stream.linear.scatter [tilespmem:s12], [sflag:$0x2], $0x4000, $0x38;
	[tilespmem:$0x5000] =	vst v63  }
0x95: {  	s16 =	sld [smem:$0x7FC]  }
0x96: {  	[hbm4b:s28+s2] =	stream.linear.scatter [tilespmem:s15], [sflag:$0x2], $0x4000, $0x38;
	[tilespmem:$0x5000] =	vst v63  }
0x97: {  	_ = 	snop  }
0x98: {  	[hbm4b:s29+s2] =	stream.linear.scatter [tilespmem:s16], [sflag:$0x2], $0x4000, $0x38;
	[tilespmem:$0x5000] =	vst v63  }
0x99: {  	s17 =	simm.s32 $0x80  }
0x9a: {  	[hbm4b:s30+s2] =	stream.linear.scatter [tilespmem:s17], [sflag:$0x2], $0x4000, $0x38;
	[tilespmem:$0x5000] =	vst v63  }
0x9b: {  	_ =	swait.ge [sflag:s25], $0x10000  }
0x9c: {  	[sflag:s25] =	ssyncset.done $0x0  }
0x9d: {  	s20 =	simm.s32 $0x1;
	s19 =	rddreg [dreg:$0x3];
	[sflag:s25] =	ssyncadd.s32 $0xFFFF0000  }
0x9e: {  	[tilespmem:s2], [sflag:$0x1] =	stream.linear.gather [hbm4b:s19+s2], $0x5000, $0x38;
	[tilespmem:$0x5000] =	vst v63  }
0x9f: {  	_ =	swait.ge [sflag:s20], $0x5000  }
0xa0: {  	s0 =	sld [smem:$0x7E3]  }
0xa1: {  	s3 =	sld [smem:$0x7EA]  }
0xa2: {  	s31 =	sld [smem:$0x7E4]  }
0xa3: {  	s5 =	sld [smem:$0x7E5]  }
0xa4: {  	s6 =	sld [smem:$0x7E6]  }
0xa5: {  	s7 =	rddreg [dreg:$0x1e]  }
0xa6: {  	s8 =	rddreg [dreg:$0x1c]  }
0xa7: {  	s9 =	rddreg [dreg:$0x1a]  }
0xa8: {  	s10 =	rddreg [dreg:$0x18]  }
0xa9: {  	s11 =	rddreg [dreg:$0x16]  }
0xaa: {  	s13 =	rddreg [dreg:$0x14]  }
0xab: {  	s15 =	rddreg [dreg:$0x12]  }
0xac: {  	s16 =	rddreg [dreg:$0x10]  }
0xad: {  	s17 =	rddreg [dreg:$0xe]  }
0xae: {  	s19 =	rddreg [dreg:$0xc]  }
0xaf: {  	s21 =	rddreg [dreg:$0x6]  }
0xb0: {  	s22 =	rddreg [dreg:$0x4]  }
0xb1: {  	s23 =	rddreg [dreg:$0x8]  }
0xb2: {  	[sflag:s20] =	ssyncset.done $0x0;
	s12 =	rddreg [dreg:$0xa]  }
0xb3: {  	[sflag:s20] =	ssyncadd.s32 $0xFFFFB000;
	s20 =	rddreg [dreg:$0x5]  }
0xb4: {  	[hbm4b:s14+s2] =	stream.linear.scatter [tilespmem:s22], [sflag:$0x2], $0x4000, $0x38;
	[tilespmem:$0x5000] =	vst v63  }
0xb5: {  	s22 =	rddreg [dreg:$0x7]  }
0xb6: {  	[hbm4b:s20+s2] =	stream.linear.scatter [tilespmem:s21], [sflag:$0x2], $0x4000, $0x38;
	[tilespmem:$0x5000] =	vst v63  }
0xb7: {  	s21 =	rddreg [dreg:$0x9]  }
0xb8: {  	s20 =	rddreg [dreg:$0x15]  }
0xb9: {  	[hbm4b:s22+s2] =	stream.linear.scatter [tilespmem:s23], [sflag:$0x2], $0x4000, $0x38;
	[tilespmem:$0x5000] =	vst v63  }
0xba: {  	s23 =	rddreg [dreg:$0xb]  }
0xbb: {  	s22 =	rddreg [dreg:$0xd]  }
0xbc: {  	[hbm4b:s21+s2] =	stream.linear.scatter [tilespmem:s12], [sflag:$0x2], $0x4000, $0x38;
	[tilespmem:$0x5000] =	vst v63  }
0xbd: {  	s21 =	rddreg [dreg:$0x17]  }
0xbe: {  	s12 =	rddreg [dreg:$0x1f]  }
0xbf: {  	[hbm4b:s23+s2] =	stream.linear.scatter [tilespmem:s19], [sflag:$0x2], $0x4000, $0x38;
	[tilespmem:$0x5000] =	vst v63  }
0xc0: {  	s23 =	rddreg [dreg:$0xf]  }
0xc1: {  	[hbm4b:s22+s2] =	stream.linear.scatter [tilespmem:s17], [sflag:$0x2], $0x4000, $0x38;
	[tilespmem:$0x5000] =	vst v63  }
0xc2: {  	s19 =	rddreg [dreg:$0x13]  }
0xc3: {  	[hbm4b:s23+s2] =	stream.linear.scatter [tilespmem:s16], [sflag:$0x2], $0x4000, $0x38;
	[tilespmem:$0x5000] =	vst v63  }
0xc4: {  	s17 =	rddreg [dreg:$0x11]  }
0xc5: {  	[hbm4b:s17+s2] =	stream.linear.scatter [tilespmem:s15], [sflag:$0x2], $0x4000, $0x38;
	[tilespmem:$0x5000] =	vst v63  }
0xc6: {  	s22 =	rddreg [dreg:$0x19]  }
0xc7: {  	[hbm4b:s19+s2] =	stream.linear.scatter [tilespmem:s13], [sflag:$0x2], $0x4000, $0x38;
	[tilespmem:$0x5000] =	vst v63  }
0xc8: {  	s23 =	rddreg [dreg:$0x1b]  }
0xc9: {  	[hbm4b:s20+s2] =	stream.linear.scatter [tilespmem:s11], [sflag:$0x2], $0x4000, $0x38;
	[tilespmem:$0x5000] =	vst v63  }
0xca: {  	s16 =	sld [smem:$0x7EC]  }
0xcb: {  	[hbm4b:s21+s2] =	stream.linear.scatter [tilespmem:s10], [sflag:$0x2], $0x4000, $0x38;
	[tilespmem:$0x5000] =	vst v63  }
0xcc: {  	s15 =	sld [smem:$0x7E9]  }
0xcd: {  	[hbm4b:s22+s2] =	stream.linear.scatter [tilespmem:s9], [sflag:$0x2], $0x4000, $0x38;
	[tilespmem:$0x5000] =	vst v63  }
0xce: {  	s17 =	sld [smem:$0x7EE]  }
0xcf: {  	[hbm4b:s23+s2] =	stream.linear.scatter [tilespmem:s8], [sflag:$0x2], $0x4000, $0x38;
	[tilespmem:$0x5000] =	vst v63  }
0xd0: {  	s11 =	rddreg [dreg:$0x1d]  }
0xd1: {  	[hbm4b:s11+s2] =	stream.linear.scatter [tilespmem:s7], [sflag:$0x2], $0x4000, $0x38;
	[tilespmem:$0x5000] =	vst v63  }
0xd2: {  	s13 =	sld [smem:$0x7E7]  }
0xd3: {  	[hbm4b:s12+s2] =	stream.linear.scatter [tilespmem:s6], [sflag:$0x2], $0x4000, $0x38;
	[tilespmem:$0x5000] =	vst v63  }
0xd4: {  	s19 =	sld [smem:$0x7F0]  }
0xd5: {  	[hbm4b:s13+s2] =	stream.linear.scatter [tilespmem:s5], [sflag:$0x2], $0x4000, $0x38;
	[tilespmem:$0x5000] =	vst v63  }
0xd6: {  	s20 =	sld [smem:$0x7F3]  }
0xd7: {  	[hbm4b:s15+s2] =	stream.linear.scatter [tilespmem:s31], [sflag:$0x2], $0x4000, $0x38;
	[tilespmem:$0x5000] =	vst v63  }
0xd8: {  	s21 =	sld [smem:$0x7F5]  }
0xd9: {  	[hbm4b:s16+s2] =	stream.linear.scatter [tilespmem:s3], [sflag:$0x2], $0x4000, $0x38;
	[tilespmem:$0x5000] =	vst v63  }
0xda: {  	s22 =	sld [smem:$0x7F6]  }
0xdb: {  	[hbm4b:s17+s2] =	stream.linear.scatter [tilespmem:s0], [sflag:$0x2], $0x4000, $0x38;
	[tilespmem:$0x5000] =	vst v63  }
0xdc: {  	s23 =	sld [smem:$0x7F9]  }
0xdd: {  	[hbm4b:s19+s2] =	stream.linear.scatter [tilespmem:s20], [sflag:$0x2], $0x4000, $0x38;
	[tilespmem:$0x5000] =	vst v63  }
0xde: {  	s31 =	sld [smem:$0x7FA]  }
0xdf: {  	[hbm4b:s21+s2] =	stream.linear.scatter [tilespmem:s22], [sflag:$0x2], $0x4000, $0x38;
	[tilespmem:$0x5000] =	vst v63  }
0xe0: {  	p0 =	sne.s32 s1, $0x1  }
0xe1: {  	[hbm4b:s23+s2] =	stream.linear.scatter [tilespmem:s31], [sflag:$0x2], $0x4000, $0x38;
	[tilespmem:$0x5000] =	vst v63  }
.Ltmp1:
0xe2: {  	_ = 	snop;
	(pc) =	sbr.rel @p0 .LBB2_2-.Ltmp1, $4  }
0xe3: {  	_ = 	snop  }
0xe4: {  	[hbm4b:s4+s2] =	stream.linear.scatter [tilespmem:s24], [sflag:$0x2], $0x4000, $0x38;
	[tilespmem:$0x5000] =	vst v63  }
0xe5: {  	s1 =	sadd.s32 $0xFFFFFFFF, s1  }
0xe6: {  	[hbm4b:s18+s2] =	stream.linear.scatter [tilespmem:s26], [sflag:$0x2], $0x4000, $0x38;
	[tilespmem:$0x5000] =	vst v63  }
.LBB2_3:
0xe7: {  	s0 =	sld [smem:$0x7E8]  }
0xe8: {  	s1 =	sld [smem:$0x7EB]  }
0xe9: {  	s17 =	sld [smem:$0x7ED]  }
0xea: {  	s18 =	sld [smem:$0x7EF]  }
0xeb: {  	s19 =	sld [smem:$0x7F1]  }
0xec: {  	s20 =	sld [smem:$0x7F2]  }
0xed: {  	s21 =	sld [smem:$0x7F4]  }
0xee: {  	[hbm4b:s0+s2] =	stream.linear.scatter [tilespmem:s1], [sflag:$0x2], $0x4000, $0x38;
	[tilespmem:$0x5000] =	vst v63  }
0xef: {  	s22 =	sld [smem:$0x7F7]  }
0xf0: {  	[hbm4b:s17+s2] =	stream.linear.scatter [tilespmem:s18], [sflag:$0x2], $0x4000, $0x38;
	[tilespmem:$0x5000] =	vst v63  }
0xf1: {  	s23 =	sld [smem:$0x7F8]  }
0xf2: {  	[hbm4b:s19+s2] =	stream.linear.scatter [tilespmem:s20], [sflag:$0x2], $0x4000, $0x38;
	[tilespmem:$0x5000] =	vst v63  }
0xf3: {  	s24 =	sld [smem:$0x7FD]  }
0xf4: {  	[hbm4b:s21+s2] =	stream.linear.scatter [tilespmem:s22], [sflag:$0x2], $0x4000, $0x38;
	[tilespmem:$0x5000] =	vst v63  }
0xf5: {  	s26 =	sld [smem:$0x7FB]  }
0xf6: {  	[hbm4b:s24+s2] =	stream.linear.scatter [tilespmem:s23], [sflag:$0x2], $0x4000, $0x38;
	[tilespmem:$0x5000] =	vst v63  }
0xf7: {  	_ = 	snop  }
0xf8: {  	[hbm4b:s28+s2] =	stream.linear.scatter [tilespmem:s26], [sflag:$0x2], $0x4000, $0x38;
	[tilespmem:$0x5000] =	vst v63  }
0xf9: {  	s28 =	sld [smem:$0x7FC];
	_ =	sdelay $0x2  }
0xfa: {  	[hbm4b:s29+s2] =	stream.linear.scatter [tilespmem:s28], [sflag:$0x2], $0x4000, $0x38;
	[tilespmem:$0x5000] =	vst v63  }
0xfb: {  	s29 =	simm.s32 $0x80  }
0xfc: {  	[hbm4b:s30+s2] =	stream.linear.scatter [tilespmem:s29], [sflag:$0x2], $0x4000, $0x38;
	[tilespmem:$0x5000] =	vst v63  }
0xfd: {  	_ =	swait.ge [sflag:s25], $0x10000  }
0xfe: {  	[sflag:s25] =	ssyncset.done $0x0  }
0xff: {  	[sflag:s25] =	ssyncadd.s32 $0xFFFF0000  }
0x100: {  	_ =	sfence.sel $0x180000  }
0x101: {  	[bflag:$0x0] =	sbarrier.arrive $0xFFFF  }
0x102: {  	_ =	strace $0x90000047  }
0x103: {  	s31 =	stileid.u32;
	[bflag:$0x2] =	sbarrier.arrive $0xFFFF  }
0x104: {  	p0 =	sne.s32 s31, $0x0;
	s0 =	rddreg [dreg:$0x2]  }
0x105: {  	s0 =	sadd.s32 @!p0 $0x100000, s0  }
0x106: {  	[sflag:s0] =	ssyncadd.tile.s32 @!p0 $0x1;
	_ =	shalt  }
.Lfunc_end2:
_tile_overlayer_lowered:
.L_overlay_start_2:
0x107: {  	(tag) =	ssettag $0x2  }
0x108: {  	s0 =	rddreg [dreg:$0x0];
	s2 =	stileid.u32  }
0x109: {  	s1 =	rddreg [dreg:$0x1];
	p0 =	sne.s32 s2, $0x0  }
0x10a: {  	s3 =	rddreg [dreg:$0x2];
	[bflag:$0x3] =	sbarrier.arrive $0xFFFF;
	s2 =	simm.s32 @!p0 $0x1C03  }
0x10b: {  	[timem:s3], [sflag:s2] =	dma.local @!p0 [hbm:s0], s1  }
0x10c: {  	s0 =	simm.s32 @!p0 $0x3  }
0x10d: {  	_ =	swait.ge @!p0 [sflag:s0], s1  }
0x10e: {  	s1 =	ssub.s32 @!p0 $0x0, s1;
	[sflag:s0] =	ssyncset.done @!p0 $0x0  }
0x10f: {  	[sflag:s0] =	ssyncadd.s32 @!p0 s1  }
0x110: {  	[bflag:$0x3] =	sbarrier.arrive $0xFFFF  }
0x111: {  	_ =	shalt  }

</sc_bundles>
